<compile_context>
chip_gen: v7x
topology: tpu7x:2x2x1
jax: 0.10.2.dev20260603
libtpu: 0.0.44.dev20260713+nightly
codegen_flags: <defaults>
</compile_context>

<pallas_src>
import jax
import jax.numpy as jnp
from jax import lax
from jax.experimental import pallas as pl
from jax.experimental.pallas import tpu as pltpu
from jax.experimental.pallas import tpu_sc as plsc

B = 4096
HIST = 20
D = 64
G = 3 * D
V = 1000000

BB = 256
NB = B // BB

NC, NS = 2, 16
NW = NC * NS
GN = B * HIST
G_PER_W = GN // NW
G_CH = G_PER_W // 4
S_PER_W = B // NW


def _sc_gather_body(item_t, user_t, u_idx, i_idx, g_u, g_i,
                    idx_v, rows_v, sem):
    wid = lax.axis_index("s") * NC + lax.axis_index("c")
    for table, idx_hbm, out_hbm in ((item_t, u_idx, g_u), (user_t, i_idx, g_i)):
        for c in range(G_PER_W // (2 * G_CH)):
            base = wid * G_PER_W + c * 2 * G_CH
            pltpu.sync_copy(idx_hbm.at[pl.ds(base, 2 * G_CH)], idx_v)
            pltpu.async_copy(table.at[idx_v], rows_v, sem).wait()
            pltpu.sync_copy(rows_v, out_hbm.at[pl.ds(base, 2 * G_CH)])


PV = V // 2


import functools as _ft


@_ft.cache
def _make_sc_gather():
  return pl.kernel(
    _sc_gather_body,
    out_type=[jax.ShapeDtypeStruct((GN, D), jnp.float32)] * 2,
    mesh=plsc.VectorSubcoreMesh(core_axis_name="c", subcore_axis_name="s", num_cores=NC, num_subcores=NS),
    compiler_params=pltpu.CompilerParams(use_tc_tiling_on_sc=False),
    scratch_types=[
        pltpu.VMEM((2 * G_CH,), jnp.int32),
        pltpu.VMEM((2 * G_CH, D), jnp.float32),
        pltpu.SemaphoreType.DMA,
    ],
  )


def _tc_body(w_e, wd_c, bih_c, w_hh, bhh_c, gu, gi_, du, di,
             ue_out, ie_out,
             x_ref, hu_ref, hi_ref, ulog_ref):
    we = w_e[...]
    whh = w_hh[...]
    b_i = bih_c[...]
    b_h = bhh_c[...]
    wdv = wd_c[...]

    nt = (((1,), (1,)), ((), ()))
    for e, g, dl in ((0, gu, du), (1, gi_, di)):
        emb = g[...]
        giT = lax.dot_general(we, emb, nt, preferred_element_type=jnp.float32)
        giT = giT + wdv * dl[...].reshape(1, HIST * BB) + b_i
        x_ref[e] = giT

    nn = (((1,), (0,)), ((), ()))

    def step(t, HT):
        xu = x_ref[0, :, pl.ds(t * BB, BB)]
        xi = x_ref[1, :, pl.ds(t * BB, BB)]
        xt = jnp.concatenate([xu, xi], axis=1)
        gh = lax.dot_general(whh, HT, nn, preferred_element_type=jnp.float32) + b_h
        r = jax.nn.sigmoid(xt[:D] + gh[:D])
        z = jax.nn.sigmoid(xt[D:2 * D] + gh[D:2 * D])
        n = jnp.tanh(xt[2 * D:] + r * gh[2 * D:])
        HTn = (1.0 - z) * n + z * HT
        hu_ref[t] = HTn[:, :BB]
        hi_ref[t] = HTn[:, BB:]
        return HTn

    lax.fori_loop(0, HIST, step, jnp.zeros((D, 2 * BB), jnp.float32))

    def att_h(h, i_acc):
        u_h = hu_ref[h]
        ths = []
        for k in range(HIST):
            ths.append(jnp.tanh(jnp.sum(u_h * hi_ref[k], axis=0)))
        th = jnp.stack(ths, axis=0)
        ulog_ref[h] = jnp.mean(th, axis=0)
        return i_acc + th

    i_sum = lax.fori_loop(0, HIST, att_h, jnp.zeros((HIST, BB), jnp.float32))

    def soft(x):
        m = jnp.max(x, axis=0, keepdims=True)
        e = jnp.exp(x - m)
        return e / jnp.sum(e, axis=0, keepdims=True)

    u_att = soft(ulog_ref[...])
    i_att = soft(i_sum / HIST)
    ueT = jnp.zeros((D, BB), jnp.float32)
    ieT = jnp.zeros((D, BB), jnp.float32)
    for h in range(HIST):
        ueT = ueT + u_att[h][None, :] * hu_ref[h]
        ieT = ieT + i_att[h][None, :] * hi_ref[h]
    ue_out[...] = ueT
    ie_out[...] = ieT


def _tc_main(w_e, wd_c, bih_c, w_hh, bhh_c, g_u, g_i, du, di):
    full = lambda s: pl.BlockSpec(s, lambda i: (0,) * len(s))
    return pl.pallas_call(
        _tc_body,
        grid=(NB,),
        in_specs=[
            full((G, D)), full((G, 1)), full((G, 1)), full((G, D)), full((G, 1)),
            pl.BlockSpec((HIST * BB, D), lambda i: (i, 0)),
            pl.BlockSpec((HIST * BB, D), lambda i: (i, 0)),
            pl.BlockSpec((1, 1, HIST * BB), lambda i: (i, 0, 0)),
            pl.BlockSpec((1, 1, HIST * BB), lambda i: (i, 0, 0)),
        ],
        out_specs=[pl.BlockSpec((D, BB), lambda i: (0, i))] * 2,
        out_shape=[jax.ShapeDtypeStruct((D, B), jnp.float32)] * 2,
        scratch_shapes=[
            pltpu.VMEM((2, G, HIST * BB), jnp.float32),
            pltpu.VMEM((HIST, D, BB), jnp.float32),
            pltpu.VMEM((HIST, D, BB), jnp.float32),
            pltpu.VMEM((HIST, BB), jnp.float32),
        ],
    )(w_e, wd_c, bih_c, w_hh, bhh_c, g_u, g_i, du, di)


R_CH = 25600
NCH = -(-V // R_CH)


def _merge_body(ids_s, perm, bounds, memT, embT, out):
    c = pl.program_id(0)
    out[...] = memT[...]
    base = c * R_CH
    lane = lax.broadcasted_iota(jnp.int32, (1, 128), 1)

    def patch(j, _):
        col = ids_s[j] - base
        c0 = pl.multiple_of((col >> 7) << 7, 128)
        cm = col & 127
        src = perm[j]
        s0 = pl.multiple_of((src >> 7) << 7, 128)
        sm = src & 127
        swin = embT[:, pl.ds(s0, 128)]
        scol = jnp.sum(jnp.where(lane == sm, swin, 0.0), axis=1, keepdims=True)
        win = out[:, pl.ds(c0, 128)]
        out[:, pl.ds(c0, 128)] = jnp.where(lane == cm, scol, win)
        return 0

    lax.fori_loop(bounds[c], bounds[c + 1], patch, 0)


def _merge_copy(memT, embT, ids_s, perm, bounds):
    smem = pl.BlockSpec(memory_space=pltpu.SMEM)
    return pl.pallas_call(
        _merge_body,
        grid=(NCH,),
        in_specs=[
            smem, smem, smem,
            pl.BlockSpec((D, R_CH), lambda i: (0, i)),
            pl.BlockSpec((D, B), lambda i: (0, 0)),
        ],
        out_specs=pl.BlockSpec((D, R_CH), lambda i: (0, i)),
        out_shape=jax.ShapeDtypeStruct((D, V), jnp.float32),
    )(ids_s, perm, bounds, memT, embT)


def kernel(user_ids, user_features, item_ids, item_features,
           user_table, item_table, W_ih, W_hh, b_ih, b_hh,
           user_memory, item_memory):
    w_e = W_ih[:, :D]
    wd_c = W_ih[:, D].reshape(G, 1)
    bih_c = b_ih.reshape(G, 1)
    w_hh = W_hh
    bhh_c = b_hh.reshape(G, 1)
    def blockmajor(x):
        return x.T.reshape(HIST, NB, BB).transpose(1, 0, 2).reshape(GN)

    u_hist_ids = blockmajor(user_features[:, ::2].astype(jnp.int32)) + 1
    i_hist_ids = blockmajor(item_features[:, ::2].astype(jnp.int32)) + 1
    du = (user_features[:, 1::2].T.reshape(HIST, NB, BB)
          .transpose(1, 0, 2).reshape(NB, 1, HIST * BB))
    di = (item_features[:, 1::2].T.reshape(HIST, NB, BB)
          .transpose(1, 0, 2).reshape(NB, 1, HIST * BB))
    g_u, g_i = _make_sc_gather()(item_table, user_table, u_hist_ids, i_hist_ids)

    ueT, ieT = _tc_main(w_e, wd_c, bih_c, w_hh, bhh_c, g_u, g_i, du, di)

    grid_edges = jnp.arange(0, (NCH + 1) * R_CH, R_CH, dtype=jnp.int32)
    outs = []
    for ids, embT, mem in ((user_ids, ueT, user_memory), (item_ids, ieT, item_memory)):
        ids = ids.astype(jnp.int32)
        perm = jnp.argsort(ids, stable=True).astype(jnp.int32)
        ids_s = ids[perm]
        bounds = jnp.searchsorted(ids_s, grid_edges).astype(jnp.int32)
        outs.append(_merge_copy(mem.T, embT, ids_s, perm, bounds).T)
    return (ueT.T, ieT.T, outs[0], outs[1])

# --- scband reference (transcript-rebuilt; emitter-appended) ---
"""Pipeline reference for scband-dee-pred-29858612641814 (READ-ONLY COPY).

The authoritative reference and input builder live on the scoring server;
editing this copy changes nothing except your own understanding.
"""

import jax, jax.numpy as jnp
import numpy as np

B = 4096
HIST = 20
D = 64
V = 1000000


def setup_inputs(seed: int = 0) -> dict:
    key = jax.random.key(seed)
    ks = jax.random.split(key, 12)
    user_ids = jax.random.randint(ks[0], (B,), 0, V)
    item_ids = jax.random.randint(ks[1], (B,), 0, V)
    # raw features: interleaved (node_id, time_delta) pairs, stored as float32
    user_features = jax.random.randint(ks[2], (B, 2 * HIST), 0, V).astype(jnp.float32)
    item_features = jax.random.randint(ks[3], (B, 2 * HIST), 0, V).astype(jnp.float32)
    # long-term embedding tables (nb + 1 rows, torch.nn.Embedding default N(0,1))
    user_table = jax.random.normal(ks[4], (V + 1, D), dtype=jnp.float32)
    item_table = jax.random.normal(ks[5], (V + 1, D), dtype=jnp.float32)
    # shared GRU parameters (input_size = D + 1, hidden = D), torch default U(-k, k), k=1/sqrt(D)
    kb = 1.0 / np.sqrt(D)
    W_ih = jax.random.uniform(ks[6], (3 * D, D + 1), minval=-kb, maxval=kb, dtype=jnp.float32)
    W_hh = jax.random.uniform(ks[7], (3 * D, D), minval=-kb, maxval=kb, dtype=jnp.float32)
    b_ih = jax.random.uniform(ks[8], (3 * D,), minval=-kb, maxval=kb, dtype=jnp.float32)
    b_hh = jax.random.uniform(ks[9], (3 * D,), minval=-kb, maxval=kb, dtype=jnp.float32)
    # short-term memories (initialize_batch_run)
    user_memory = jnp.zeros((V, D), dtype=jnp.float32)
    item_memory = jnp.zeros((V, D), dtype=jnp.float32)
    return {
        'user_ids': user_ids, 'user_features': user_features,
        'item_ids': item_ids, 'item_features': item_features,
        'user_table': user_table, 'item_table': item_table,
        'W_ih': W_ih, 'W_hh': W_hh, 'b_ih': b_ih, 'b_hh': b_hh,
        'user_memory': user_memory, 'item_memory': item_memory,
    }


def _gru(seq, W_ih, W_hh, b_ih, b_hh):
    # seq: (batch, T, input_size) -> (batch, T, hidden)
    def step(h, x_t):
        gi = x_t @ W_ih.T + b_ih
        gh = h @ W_hh.T + b_hh
        i_r, i_z, i_n = jnp.split(gi, 3, axis=-1)
        h_r, h_z, h_n = jnp.split(gh, 3, axis=-1)
        r = jax.nn.sigmoid(i_r + h_r)
        z = jax.nn.sigmoid(i_z + h_z)
        n = jnp.tanh(i_n + r * h_n)
        h_new = (1.0 - z) * n + z * h
        return h_new, h_new
    h0 = jnp.zeros((seq.shape[0], W_hh.shape[1]), dtype=seq.dtype)
    xs = jnp.swapaxes(seq, 0, 1)
    _, ys = jax.lax.scan(step, h0, xs)
    return jnp.swapaxes(ys, 0, 1)


def _encode(raw_features, table, W_ih, W_hh, b_ih, b_hh):
    b, k2 = raw_features.shape
    raw = raw_features.reshape(b, k2 // 2, 2)
    node_ids = raw[:, :, 0].astype(jnp.int32) + 1
    deltas = raw[:, :, 1]
    emb = jnp.take(table, node_ids, axis=0)  # gather from long-term table
    # dropout is identity in eval mode
    seq = jnp.concatenate([emb, deltas[..., None]], axis=-1).astype(jnp.float32)
    return _gru(seq, W_ih, W_hh, b_ih, b_hh)


def reference(user_ids, user_features, item_ids, item_features,
              user_table, item_table, W_ih, W_hh, b_ih, b_hh,
              user_memory, item_memory):
    # user history is made of item ids and vice versa
    u_hist = _encode(user_features, item_table, W_ih, W_hh, b_ih, b_hh)  # (B, HIST, D)
    i_hist = _encode(item_features, user_table, W_ih, W_hh, b_ih, b_hh)  # (B, HIST, D)
    align = jnp.tanh(jnp.einsum('bhd,bkd->bhk', u_hist, i_hist))
    # pooling == 'mean'
    user_att = jax.nn.softmax(jnp.mean(align, axis=2), axis=1)
    item_att = jax.nn.softmax(jnp.mean(align, axis=1), axis=1)
    user_emb = jnp.sum(u_hist * user_att[..., None], axis=1)
    item_emb = jnp.sum(i_hist * item_att[..., None], axis=1)
    # scatter-overwrite into short-term memory
    new_user_memory = user_memory.at[user_ids].set(user_emb)
    new_item_memory = item_memory.at[item_ids].set(item_emb)
    return (user_emb, item_emb, new_user_memory, new_item_memory)

if __name__ == "__main__":
    import jax
    _d = setup_inputs()
    print(jax.jit(kernel)(*tuple(_d.values())))

</pallas_src>

<mosaic_0001>
#map = affine_map<(d0, d1) -> (0, 0)>
#map1 = affine_map<(d0, d1) -> (0)>
module attributes {stable_mosaic.version = 14 : i64} {
  func.func @_sc_gather_body(%arg0: i32, %arg1: i32, %arg2: memref<1000001x64xf32, #tpu.memory_space<hbm>>, %arg3: memref<1000001x64xf32, #tpu.memory_space<hbm>>, %arg4: memref<81920xi32, #tpu.memory_space<hbm>>, %arg5: memref<81920xi32, #tpu.memory_space<hbm>>, %arg6: memref<81920x64xf32, #tpu.memory_space<hbm>>, %arg7: memref<81920x64xf32, #tpu.memory_space<hbm>>, %arg8: memref<1280xi32, #tpu.memory_space<vmem>>, %arg9: memref<1280x64xf32, #tpu.memory_space<vmem>>, %arg10: memref<!tpu.dma_semaphore, #tpu.memory_space<semaphore_mem>>) attributes {dimension_semantics = [#tpu.dimension_semantics<core_parallel>, #tpu.dimension_semantics<subcore_parallel>], iteration_bounds = array<i64: 2, 16>, scalar_prefetch = 0 : i64, scratch_operands = 3 : i64, tpu.core_type = #tpu.core_type<sc_vector_subcore>, window_params = [{transform_indices = #map}, {transform_indices = #map}, {transform_indices = #map1}, {transform_indices = #map1}, {transform_indices = #map}, {transform_indices = #map}]} {
    %mul3A = arith.constant 2 : i32
    %mul3A_0 = arith.muli %arg1, %mul3A : i32
    %add3A = arith.addi %mul3A_0, %arg0 : i32
    %mul3A_1 = arith.constant 2560 : i32
    %mul3A_2 = arith.muli %add3A, %mul3A_1 : i32
    %add3A_3 = arith.constant 0 : i32
    %add3A_4 = arith.addi %mul3A_2, %add3A_3 : i32
    "tpu.region"() ({
      %run_scoped3A = tpu.sem_alloc : memref<!tpu.dma_semaphore, #tpu.memory_space<semaphore_mem>>
      %dma_start3A_39 = tpu.memref_slice %arg4[%add3A_4] : memref<81920xi32, #tpu.memory_space<hbm>> -> memref<1280xi32, #tpu.memory_space<hbm>>
      %dma_start3A_40 = tpu.memref_slice %arg4[%add3A_4] : memref<81920xi32, #tpu.memory_space<hbm>> -> memref<1280xi32, #tpu.memory_space<hbm>>
      tpu.enqueue_dma source(%dma_start3A_40 : memref<1280xi32, #tpu.memory_space<hbm>>) target(%arg8 : memref<1280xi32, #tpu.memory_space<vmem>>) target_semaphore(%run_scoped3A : memref<!tpu.dma_semaphore, #tpu.memory_space<semaphore_mem>>)
      %dma_wait3A_41 = tpu.memref_slice %arg4[%add3A_4] : memref<81920xi32, #tpu.memory_space<hbm>> -> memref<1280xi32, #tpu.memory_space<hbm>>
      %dma_wait3A_42 = tpu.memref_slice %arg4[%add3A_4] : memref<81920xi32, #tpu.memory_space<hbm>> -> memref<1280xi32, #tpu.memory_space<hbm>>
      tpu.wait_dma2 semaphore(%run_scoped3A : memref<!tpu.dma_semaphore, #tpu.memory_space<semaphore_mem>>) src(%dma_wait3A_42 : memref<1280xi32, #tpu.memory_space<hbm>>) dst(%arg8 : memref<1280xi32, #tpu.memory_space<vmem>>)
      tpu.yield
    }) : () -> ()
    %dma_start3A = arith.constant 0 : i32
    %dma_start3A_5 = arith.constant 0 : i32
    %dma_start3A_6 = tpu.memref_slice %arg2[%dma_start3A, %dma_start3A_5] : memref<1000001x64xf32, #tpu.memory_space<hbm>> -> memref<1000001x64xf32, #tpu.memory_space<hbm>>
    tpu.enqueue_indirect_dma source(%dma_start3A_6 : memref<1000001x64xf32, #tpu.memory_space<hbm>>) target(%arg9 : memref<1280x64xf32, #tpu.memory_space<vmem>>) offsets(%arg8 : memref<1280xi32, #tpu.memory_space<vmem>>) semaphore(%arg10 : memref<!tpu.dma_semaphore, #tpu.memory_space<semaphore_mem>>)
    %dma_wait3A = arith.constant 0 : i32
    %dma_wait3A_7 = arith.constant 0 : i32
    %dma_wait3A_8 = tpu.memref_slice %arg2[%dma_wait3A, %dma_wait3A_7] : memref<1000001x64xf32, #tpu.memory_space<hbm>> -> memref<1000001x64xf32, #tpu.memory_space<hbm>>
    tpu.wait_indirect_dma semaphore(%arg10 : memref<!tpu.dma_semaphore, #tpu.memory_space<semaphore_mem>>) src(%dma_wait3A_8 : memref<1000001x64xf32, #tpu.memory_space<hbm>>) dst(%arg9 : memref<1280x64xf32, #tpu.memory_space<vmem>>)
    "tpu.region"() ({
      %run_scoped3A = tpu.sem_alloc : memref<!tpu.dma_semaphore, #tpu.memory_space<semaphore_mem>>
      %dma_start3A_39 = arith.constant 0 : i32
      %dma_start3A_40 = tpu.memref_slice %arg6[%add3A_4, %dma_start3A_39] : memref<81920x64xf32, #tpu.memory_space<hbm>> -> memref<1280x64xf32, #tpu.memory_space<hbm>>
      %dma_start3A_41 = arith.constant 0 : i32
      %dma_start3A_42 = tpu.memref_slice %arg6[%add3A_4, %dma_start3A_41] : memref<81920x64xf32, #tpu.memory_space<hbm>> -> memref<1280x64xf32, #tpu.memory_space<hbm>>
      tpu.enqueue_dma source(%arg9 : memref<1280x64xf32, #tpu.memory_space<vmem>>) target(%dma_start3A_42 : memref<1280x64xf32, #tpu.memory_space<hbm>>) target_semaphore(%run_scoped3A : memref<!tpu.dma_semaphore, #tpu.memory_space<semaphore_mem>>)
      %dma_wait3A_43 = arith.constant 0 : i32
      %dma_wait3A_44 = tpu.memref_slice %arg6[%add3A_4, %dma_wait3A_43] : memref<81920x64xf32, #tpu.memory_space<hbm>> -> memref<1280x64xf32, #tpu.memory_space<hbm>>
      %dma_wait3A_45 = arith.constant 0 : i32
      %dma_wait3A_46 = tpu.memref_slice %arg6[%add3A_4, %dma_wait3A_45] : memref<81920x64xf32, #tpu.memory_space<hbm>> -> memref<1280x64xf32, #tpu.memory_space<hbm>>
      tpu.wait_dma2 semaphore(%run_scoped3A : memref<!tpu.dma_semaphore, #tpu.memory_space<semaphore_mem>>) src(%arg9 : memref<1280x64xf32, #tpu.memory_space<vmem>>) dst(%dma_wait3A_46 : memref<1280x64xf32, #tpu.memory_space<hbm>>)
      tpu.yield
    }) : () -> ()
    %mul3A_9 = arith.constant 2560 : i32
    %mul3A_10 = arith.muli %add3A, %mul3A_9 : i32
    %add3A_11 = arith.constant 1280 : i32
    %add3A_12 = arith.addi %mul3A_10, %add3A_11 : i32
    "tpu.region"() ({
      %run_scoped3A = tpu.sem_alloc : memref<!tpu.dma_semaphore, #tpu.memory_space<semaphore_mem>>
      %dma_start3A_39 = tpu.memref_slice %arg4[%add3A_12] : memref<81920xi32, #tpu.memory_space<hbm>> -> memref<1280xi32, #tpu.memory_space<hbm>>
      %dma_start3A_40 = tpu.memref_slice %arg4[%add3A_12] : memref<81920xi32, #tpu.memory_space<hbm>> -> memref<1280xi32, #tpu.memory_space<hbm>>
      tpu.enqueue_dma source(%dma_start3A_40 : memref<1280xi32, #tpu.memory_space<hbm>>) target(%arg8 : memref<1280xi32, #tpu.memory_space<vmem>>) target_semaphore(%run_scoped3A : memref<!tpu.dma_semaphore, #tpu.memory_space<semaphore_mem>>)
      %dma_wait3A_41 = tpu.memref_slice %arg4[%add3A_12] : memref<81920xi32, #tpu.memory_space<hbm>> -> memref<1280xi32, #tpu.memory_space<hbm>>
      %dma_wait3A_42 = tpu.memref_slice %arg4[%add3A_12] : memref<81920xi32, #tpu.memory_space<hbm>> -> memref<1280xi32, #tpu.memory_space<hbm>>
      tpu.wait_dma2 semaphore(%run_scoped3A : memref<!tpu.dma_semaphore, #tpu.memory_space<semaphore_mem>>) src(%dma_wait3A_42 : memref<1280xi32, #tpu.memory_space<hbm>>) dst(%arg8 : memref<1280xi32, #tpu.memory_space<vmem>>)
      tpu.yield
    }) : () -> ()
    %dma_start3A_13 = arith.constant 0 : i32
    %dma_start3A_14 = arith.constant 0 : i32
    %dma_start3A_15 = tpu.memref_slice %arg2[%dma_start3A_13, %dma_start3A_14] : memref<1000001x64xf32, #tpu.memory_space<hbm>> -> memref<1000001x64xf32, #tpu.memory_space<hbm>>
    tpu.enqueue_indirect_dma source(%dma_start3A_15 : memref<1000001x64xf32, #tpu.memory_space<hbm>>) target(%arg9 : memref<1280x64xf32, #tpu.memory_space<vmem>>) offsets(%arg8 : memref<1280xi32, #tpu.memory_space<vmem>>) semaphore(%arg10 : memref<!tpu.dma_semaphore, #tpu.memory_space<semaphore_mem>>)
    %dma_wait3A_16 = arith.constant 0 : i32
    %dma_wait3A_17 = arith.constant 0 : i32
    %dma_wait3A_18 = tpu.memref_slice %arg2[%dma_wait3A_16, %dma_wait3A_17] : memref<1000001x64xf32, #tpu.memory_space<hbm>> -> memref<1000001x64xf32, #tpu.memory_space<hbm>>
    tpu.wait_indirect_dma semaphore(%arg10 : memref<!tpu.dma_semaphore, #tpu.memory_space<semaphore_mem>>) src(%dma_wait3A_18 : memref<1000001x64xf32, #tpu.memory_space<hbm>>) dst(%arg9 : memref<1280x64xf32, #tpu.memory_space<vmem>>)
    "tpu.region"() ({
      %run_scoped3A = tpu.sem_alloc : memref<!tpu.dma_semaphore, #tpu.memory_space<semaphore_mem>>
      %dma_start3A_39 = arith.constant 0 : i32
      %dma_start3A_40 = tpu.memref_slice %arg6[%add3A_12, %dma_start3A_39] : memref<81920x64xf32, #tpu.memory_space<hbm>> -> memref<1280x64xf32, #tpu.memory_space<hbm>>
      %dma_start3A_41 = arith.constant 0 : i32
      %dma_start3A_42 = tpu.memref_slice %arg6[%add3A_12, %dma_start3A_41] : memref<81920x64xf32, #tpu.memory_space<hbm>> -> memref<1280x64xf32, #tpu.memory_space<hbm>>
      tpu.enqueue_dma source(%arg9 : memref<1280x64xf32, #tpu.memory_space<vmem>>) target(%dma_start3A_42 : memref<1280x64xf32, #tpu.memory_space<hbm>>) target_semaphore(%run_scoped3A : memref<!tpu.dma_semaphore, #tpu.memory_space<semaphore_mem>>)
      %dma_wait3A_43 = arith.constant 0 : i32
      %dma_wait3A_44 = tpu.memref_slice %arg6[%add3A_12, %dma_wait3A_43] : memref<81920x64xf32, #tpu.memory_space<hbm>> -> memref<1280x64xf32, #tpu.memory_space<hbm>>
      %dma_wait3A_45 = arith.constant 0 : i32
      %dma_wait3A_46 = tpu.memref_slice %arg6[%add3A_12, %dma_wait3A_45] : memref<81920x64xf32, #tpu.memory_space<hbm>> -> memref<1280x64xf32, #tpu.memory_space<hbm>>
      tpu.wait_dma2 semaphore(%run_scoped3A : memref<!tpu.dma_semaphore, #tpu.memory_space<semaphore_mem>>) src(%arg9 : memref<1280x64xf32, #tpu.memory_space<vmem>>) dst(%dma_wait3A_46 : memref<1280x64xf32, #tpu.memory_space<hbm>>)
      tpu.yield
    }) : () -> ()
    %mul3A_19 = arith.constant 2560 : i32
    %mul3A_20 = arith.muli %add3A, %mul3A_19 : i32
    %add3A_21 = arith.constant 0 : i32
    %add3A_22 = arith.addi %mul3A_20, %add3A_21 : i32
    "tpu.region"() ({
      %run_scoped3A = tpu.sem_alloc : memref<!tpu.dma_semaphore, #tpu.memory_space<semaphore_mem>>
      %dma_start3A_39 = tpu.memref_slice %arg5[%add3A_22] : memref<81920xi32, #tpu.memory_space<hbm>> -> memref<1280xi32, #tpu.memory_space<hbm>>
      %dma_start3A_40 = tpu.memref_slice %arg5[%add3A_22] : memref<81920xi32, #tpu.memory_space<hbm>> -> memref<1280xi32, #tpu.memory_space<hbm>>
      tpu.enqueue_dma source(%dma_start3A_40 : memref<1280xi32, #tpu.memory_space<hbm>>) target(%arg8 : memref<1280xi32, #tpu.memory_space<vmem>>) target_semaphore(%run_scoped3A : memref<!tpu.dma_semaphore, #tpu.memory_space<semaphore_mem>>)
      %dma_wait3A_41 = tpu.memref_slice %arg5[%add3A_22] : memref<81920xi32, #tpu.memory_space<hbm>> -> memref<1280xi32, #tpu.memory_space<hbm>>
      %dma_wait3A_42 = tpu.memref_slice %arg5[%add3A_22] : memref<81920xi32, #tpu.memory_space<hbm>> -> memref<1280xi32, #tpu.memory_space<hbm>>
      tpu.wait_dma2 semaphore(%run_scoped3A : memref<!tpu.dma_semaphore, #tpu.memory_space<semaphore_mem>>) src(%dma_wait3A_42 : memref<1280xi32, #tpu.memory_space<hbm>>) dst(%arg8 : memref<1280xi32, #tpu.memory_space<vmem>>)
      tpu.yield
    }) : () -> ()
    %dma_start3A_23 = arith.constant 0 : i32
    %dma_start3A_24 = arith.constant 0 : i32
    %dma_start3A_25 = tpu.memref_slice %arg3[%dma_start3A_23, %dma_start3A_24] : memref<1000001x64xf32, #tpu.memory_space<hbm>> -> memref<1000001x64xf32, #tpu.memory_space<hbm>>
    tpu.enqueue_indirect_dma source(%dma_start3A_25 : memref<1000001x64xf32, #tpu.memory_space<hbm>>) target(%arg9 : memref<1280x64xf32, #tpu.memory_space<vmem>>) offsets(%arg8 : memref<1280xi32, #tpu.memory_space<vmem>>) semaphore(%arg10 : memref<!tpu.dma_semaphore, #tpu.memory_space<semaphore_mem>>)
    %dma_wait3A_26 = arith.constant 0 : i32
    %dma_wait3A_27 = arith.constant 0 : i32
    %dma_wait3A_28 = tpu.memref_slice %arg3[%dma_wait3A_26, %dma_wait3A_27] : memref<1000001x64xf32, #tpu.memory_space<hbm>> -> memref<1000001x64xf32, #tpu.memory_space<hbm>>
    tpu.wait_indirect_dma semaphore(%arg10 : memref<!tpu.dma_semaphore, #tpu.memory_space<semaphore_mem>>) src(%dma_wait3A_28 : memref<1000001x64xf32, #tpu.memory_space<hbm>>) dst(%arg9 : memref<1280x64xf32, #tpu.memory_space<vmem>>)
    "tpu.region"() ({
      %run_scoped3A = tpu.sem_alloc : memref<!tpu.dma_semaphore, #tpu.memory_space<semaphore_mem>>
      %dma_start3A_39 = arith.constant 0 : i32
      %dma_start3A_40 = tpu.memref_slice %arg7[%add3A_22, %dma_start3A_39] : memref<81920x64xf32, #tpu.memory_space<hbm>> -> memref<1280x64xf32, #tpu.memory_space<hbm>>
      %dma_start3A_41 = arith.constant 0 : i32
      %dma_start3A_42 = tpu.memref_slice %arg7[%add3A_22, %dma_start3A_41] : memref<81920x64xf32, #tpu.memory_space<hbm>> -> memref<1280x64xf32, #tpu.memory_space<hbm>>
      tpu.enqueue_dma source(%arg9 : memref<1280x64xf32, #tpu.memory_space<vmem>>) target(%dma_start3A_42 : memref<1280x64xf32, #tpu.memory_space<hbm>>) target_semaphore(%run_scoped3A : memref<!tpu.dma_semaphore, #tpu.memory_space<semaphore_mem>>)
      %dma_wait3A_43 = arith.constant 0 : i32
      %dma_wait3A_44 = tpu.memref_slice %arg7[%add3A_22, %dma_wait3A_43] : memref<81920x64xf32, #tpu.memory_space<hbm>> -> memref<1280x64xf32, #tpu.memory_space<hbm>>
      %dma_wait3A_45 = arith.constant 0 : i32
      %dma_wait3A_46 = tpu.memref_slice %arg7[%add3A_22, %dma_wait3A_45] : memref<81920x64xf32, #tpu.memory_space<hbm>> -> memref<1280x64xf32, #tpu.memory_space<hbm>>
      tpu.wait_dma2 semaphore(%run_scoped3A : memref<!tpu.dma_semaphore, #tpu.memory_space<semaphore_mem>>) src(%arg9 : memref<1280x64xf32, #tpu.memory_space<vmem>>) dst(%dma_wait3A_46 : memref<1280x64xf32, #tpu.memory_space<hbm>>)
      tpu.yield
    }) : () -> ()
    %mul3A_29 = arith.constant 2560 : i32
    %mul3A_30 = arith.muli %add3A, %mul3A_29 : i32
    %add3A_31 = arith.constant 1280 : i32
    %add3A_32 = arith.addi %mul3A_30, %add3A_31 : i32
    "tpu.region"() ({
      %run_scoped3A = tpu.sem_alloc : memref<!tpu.dma_semaphore, #tpu.memory_space<semaphore_mem>>
      %dma_start3A_39 = tpu.memref_slice %arg5[%add3A_32] : memref<81920xi32, #tpu.memory_space<hbm>> -> memref<1280xi32, #tpu.memory_space<hbm>>
      %dma_start3A_40 = tpu.memref_slice %arg5[%add3A_32] : memref<81920xi32, #tpu.memory_space<hbm>> -> memref<1280xi32, #tpu.memory_space<hbm>>
      tpu.enqueue_dma source(%dma_start3A_40 : memref<1280xi32, #tpu.memory_space<hbm>>) target(%arg8 : memref<1280xi32, #tpu.memory_space<vmem>>) target_semaphore(%run_scoped3A : memref<!tpu.dma_semaphore, #tpu.memory_space<semaphore_mem>>)
      %dma_wait3A_41 = tpu.memref_slice %arg5[%add3A_32] : memref<81920xi32, #tpu.memory_space<hbm>> -> memref<1280xi32, #tpu.memory_space<hbm>>
      %dma_wait3A_42 = tpu.memref_slice %arg5[%add3A_32] : memref<81920xi32, #tpu.memory_space<hbm>> -> memref<1280xi32, #tpu.memory_space<hbm>>
      tpu.wait_dma2 semaphore(%run_scoped3A : memref<!tpu.dma_semaphore, #tpu.memory_space<semaphore_mem>>) src(%dma_wait3A_42 : memref<1280xi32, #tpu.memory_space<hbm>>) dst(%arg8 : memref<1280xi32, #tpu.memory_space<vmem>>)
      tpu.yield
    }) : () -> ()
    %dma_start3A_33 = arith.constant 0 : i32
    %dma_start3A_34 = arith.constant 0 : i32
    %dma_start3A_35 = tpu.memref_slice %arg3[%dma_start3A_33, %dma_start3A_34] : memref<1000001x64xf32, #tpu.memory_space<hbm>> -> memref<1000001x64xf32, #tpu.memory_space<hbm>>
    tpu.enqueue_indirect_dma source(%dma_start3A_35 : memref<1000001x64xf32, #tpu.memory_space<hbm>>) target(%arg9 : memref<1280x64xf32, #tpu.memory_space<vmem>>) offsets(%arg8 : memref<1280xi32, #tpu.memory_space<vmem>>) semaphore(%arg10 : memref<!tpu.dma_semaphore, #tpu.memory_space<semaphore_mem>>)
    %dma_wait3A_36 = arith.constant 0 : i32
    %dma_wait3A_37 = arith.constant 0 : i32
    %dma_wait3A_38 = tpu.memref_slice %arg3[%dma_wait3A_36, %dma_wait3A_37] : memref<1000001x64xf32, #tpu.memory_space<hbm>> -> memref<1000001x64xf32, #tpu.memory_space<hbm>>
    tpu.wait_indirect_dma semaphore(%arg10 : memref<!tpu.dma_semaphore, #tpu.memory_space<semaphore_mem>>) src(%dma_wait3A_38 : memref<1000001x64xf32, #tpu.memory_space<hbm>>) dst(%arg9 : memref<1280x64xf32, #tpu.memory_space<vmem>>)
    "tpu.region"() ({
      %run_scoped3A = tpu.sem_alloc : memref<!tpu.dma_semaphore, #tpu.memory_space<semaphore_mem>>
      %dma_start3A_39 = arith.constant 0 : i32
      %dma_start3A_40 = tpu.memref_slice %arg7[%add3A_32, %dma_start3A_39] : memref<81920x64xf32, #tpu.memory_space<hbm>> -> memref<1280x64xf32, #tpu.memory_space<hbm>>
      %dma_start3A_41 = arith.constant 0 : i32
      %dma_start3A_42 = tpu.memref_slice %arg7[%add3A_32, %dma_start3A_41] : memref<81920x64xf32, #tpu.memory_space<hbm>> -> memref<1280x64xf32, #tpu.memory_space<hbm>>
      tpu.enqueue_dma source(%arg9 : memref<1280x64xf32, #tpu.memory_space<vmem>>) target(%dma_start3A_42 : memref<1280x64xf32, #tpu.memory_space<hbm>>) target_semaphore(%run_scoped3A : memref<!tpu.dma_semaphore, #tpu.memory_space<semaphore_mem>>)
      %dma_wait3A_43 = arith.constant 0 : i32
      %dma_wait3A_44 = tpu.memref_slice %arg7[%add3A_32, %dma_wait3A_43] : memref<81920x64xf32, #tpu.memory_space<hbm>> -> memref<1280x64xf32, #tpu.memory_space<hbm>>
      %dma_wait3A_45 = arith.constant 0 : i32
      %dma_wait3A_46 = tpu.memref_slice %arg7[%add3A_32, %dma_wait3A_45] : memref<81920x64xf32, #tpu.memory_space<hbm>> -> memref<1280x64xf32, #tpu.memory_space<hbm>>
      tpu.wait_dma2 semaphore(%run_scoped3A : memref<!tpu.dma_semaphore, #tpu.memory_space<semaphore_mem>>) src(%arg9 : memref<1280x64xf32, #tpu.memory_space<vmem>>) dst(%dma_wait3A_46 : memref<1280x64xf32, #tpu.memory_space<hbm>>)
      tpu.yield
    }) : () -> ()
    return
  }
}

module attributes {stable_mosaic.version = 14 : i64} {
  func.func @_tc_body(%arg0: i32, %arg1: memref<192x64xf32, #tpu.memory_space<vmem>>, %arg2: memref<192x1xf32, #tpu.memory_space<vmem>>, %arg3: memref<192x1xf32, #tpu.memory_space<vmem>>, %arg4: memref<192x64xf32, #tpu.memory_space<vmem>>, %arg5: memref<192x1xf32, #tpu.memory_space<vmem>>, %arg6: memref<5120x64xf32, #tpu.memory_space<vmem>>, %arg7: memref<5120x64xf32, #tpu.memory_space<vmem>>, %arg8: memref<1x1x5120xf32, #tpu.memory_space<vmem>>, %arg9: memref<1x1x5120xf32, #tpu.memory_space<vmem>>, %arg10: memref<64x256xf32, #tpu.memory_space<vmem>>, %arg11: memref<64x256xf32, #tpu.memory_space<vmem>>, %arg12: memref<2x192x5120xf32, #tpu.memory_space<vmem>>, %arg13: memref<20x64x256xf32, #tpu.memory_space<vmem>>, %arg14: memref<20x64x256xf32, #tpu.memory_space<vmem>>, %arg15: memref<20x256xf32, #tpu.memory_space<vmem>>) attributes {dimension_semantics = [#tpu.dimension_semantics<arbitrary>], iteration_bounds = array<i64: 16>, scalar_prefetch = 0 : i64, scratch_operands = 4 : i64, tpu.core_type = #tpu.core_type<tc>, window_params = [{pipeline_mode = #tpu.pipeline_mode<synchronous>, transform_indices = @transform_0, window_bounds = array<i64: 192, 64>}, {pipeline_mode = #tpu.pipeline_mode<synchronous>, transform_indices = @transform_1, window_bounds = array<i64: 192, 1>}, {pipeline_mode = #tpu.pipeline_mode<synchronous>, transform_indices = @transform_2, window_bounds = array<i64: 192, 1>}, {pipeline_mode = #tpu.pipeline_mode<synchronous>, transform_indices = @transform_3, window_bounds = array<i64: 192, 64>}, {pipeline_mode = #tpu.pipeline_mode<synchronous>, transform_indices = @transform_4, window_bounds = array<i64: 192, 1>}, {transform_indices = @transform_5, window_bounds = array<i64: 5120, 64>}, {transform_indices = @transform_6, window_bounds = array<i64: 5120, 64>}, {transform_indices = @transform_7, window_bounds = array<i64: 1, 1, 5120>}, {transform_indices = @transform_8, window_bounds = array<i64: 1, 1, 5120>}, {transform_indices = @transform_9, window_bounds = array<i64: 64, 256>}, {transform_indices = @transform_10, window_bounds = array<i64: 64, 256>}]} {
    %get3A = arith.constant 0 : index
    %get3A_0 = arith.constant 0 : index
    %get3A_1 = vector.load %arg1[%get3A, %get3A_0] : memref<192x64xf32, #tpu.memory_space<vmem>>, vector<192x64xf32>
    %get3A_2 = arith.constant 0 : index
    %get3A_3 = arith.constant 0 : index
    %get3A_4 = vector.load %arg4[%get3A_2, %get3A_3] : memref<192x64xf32, #tpu.memory_space<vmem>>, vector<192x64xf32>
    %get3A_5 = arith.constant 0 : index
    %get3A_6 = arith.constant 0 : index
    %get3A_7 = vector.load %arg3[%get3A_5, %get3A_6] : memref<192x1xf32, #tpu.memory_space<vmem>>, vector<192x1xf32>
    %get3A_8 = arith.constant 0 : index
    %get3A_9 = arith.constant 0 : index
    %get3A_10 = vector.load %arg5[%get3A_8, %get3A_9] : memref<192x1xf32, #tpu.memory_space<vmem>>, vector<192x1xf32>
    %get3A_11 = arith.constant 0 : index
    %get3A_12 = arith.constant 0 : index
    %get3A_13 = vector.load %arg2[%get3A_11, %get3A_12] : memref<192x1xf32, #tpu.memory_space<vmem>>, vector<192x1xf32>
    %get3A_14 = arith.constant 0 : index
    %get3A_15 = arith.constant 0 : index
    %get3A_16 = vector.load %arg6[%get3A_14, %get3A_15] : memref<5120x64xf32, #tpu.memory_space<vmem>>, vector<5120x64xf32>
    %dot_general3A = arith.constant dense<0.000000e+00> : vector<192x5120xf32>
    %dot_general3A_17 = tpu.matmul %get3A_1, %get3A_16, %dot_general3A {dimension_numbers = #tpu.dot_dimension_numbers<[1], [1], [0], [0], [0, 0, 1, 0], [], []>, transpose_lhs_hint = false} : vector<192x64xf32>, vector<5120x64xf32>, vector<192x5120xf32> -> vector<192x5120xf32>
    %get3A_18 = arith.constant 0 : index
    %get3A_19 = arith.constant 0 : index
    %get3A_20 = arith.constant 0 : index
    %get3A_21 = vector.load %arg8[%get3A_18, %get3A_19, %get3A_20] : memref<1x1x5120xf32, #tpu.memory_space<vmem>>, vector<1x1x5120xf32>
    %reshape3A = vector.shape_cast %get3A_21 : vector<1x1x5120xf32> to vector<1x5120xf32>
    %mul3A = vector.broadcast %get3A_13 : vector<192x1xf32> to vector<192x5120xf32>
    %mul3A_22 = vector.broadcast %reshape3A : vector<1x5120xf32> to vector<192x5120xf32>
    %mul3A_23 = arith.mulf %mul3A, %mul3A_22 : vector<192x5120xf32>
    %add3A = arith.addf %dot_general3A_17, %mul3A_23 : vector<192x5120xf32>
    %add3A_24 = vector.broadcast %get3A_7 : vector<192x1xf32> to vector<192x5120xf32>
    %add3A_25 = arith.addf %add3A, %add3A_24 : vector<192x5120xf32>
    %swap3A = arith.constant 0 : index
    %swap3A_26 = arith.constant 0 : index
    %swap3A_27 = arith.constant 0 : index
    %swap3A_28 = vector.load %arg12[%swap3A, %swap3A_26, %swap3A_27] : memref<2x192x5120xf32, #tpu.memory_space<vmem>>, vector<1x192x5120xf32>
    %swap3A_29 = vector.shape_cast %swap3A_28 : vector<1x192x5120xf32> to vector<192x5120xf32>
    %swap3A_30 = vector.shape_cast %add3A_25 : vector<192x5120xf32> to vector<1x192x5120xf32>
    tpu.vector_store %arg12[%swap3A, %swap3A_26, %swap3A_27], %swap3A_30 {strides = array<i32>} : memref<2x192x5120xf32, #tpu.memory_space<vmem>>, vector<1x192x5120xf32>,
    %get3A_31 = arith.constant 0 : index
    %get3A_32 = arith.constant 0 : index
    %get3A_33 = vector.load %arg7[%get3A_31, %get3A_32] : memref<5120x64xf32, #tpu.memory_space<vmem>>, vector<5120x64xf32>
    %dot_general3A_34 = arith.constant dense<0.000000e+00> : vector<192x5120xf32>
    %dot_general3A_35 = tpu.matmul %get3A_1, %get3A_33, %dot_general3A_34 {dimension_numbers = #tpu.dot_dimension_numbers<[1], [1], [0], [0], [0, 0, 1, 0], [], []>, transpose_lhs_hint = false} : vector<192x64xf32>, vector<5120x64xf32>, vector<192x5120xf32> -> vector<192x5120xf32>
    %get3A_36 = arith.constant 0 : index
    %get3A_37 = arith.constant 0 : index
    %get3A_38 = arith.constant 0 : index
    %get3A_39 = vector.load %arg9[%get3A_36, %get3A_37, %get3A_38] : memref<1x1x5120xf32, #tpu.memory_space<vmem>>, vector<1x1x5120xf32>
    %reshape3A_40 = vector.shape_cast %get3A_39 : vector<1x1x5120xf32> to vector<1x5120xf32>
    %mul3A_41 = vector.broadcast %get3A_13 : vector<192x1xf32> to vector<192x5120xf32>
    %mul3A_42 = vector.broadcast %reshape3A_40 : vector<1x5120xf32> to vector<192x5120xf32>
    %mul3A_43 = arith.mulf %mul3A_41, %mul3A_42 : vector<192x5120xf32>
    %add3A_44 = arith.addf %dot_general3A_35, %mul3A_43 : vector<192x5120xf32>
    %add3A_45 = vector.broadcast %get3A_7 : vector<192x1xf32> to vector<192x5120xf32>
    %add3A_46 = arith.addf %add3A_44, %add3A_45 : vector<192x5120xf32>
    %swap3A_47 = arith.constant 1 : index
    %swap3A_48 = arith.constant 0 : index
    %swap3A_49 = arith.constant 0 : index
    %swap3A_50 = vector.load %arg12[%swap3A_47, %swap3A_48, %swap3A_49] : memref<2x192x5120xf32, #tpu.memory_space<vmem>>, vector<1x192x5120xf32>
    %swap3A_51 = vector.shape_cast %swap3A_50 : vector<1x192x5120xf32> to vector<192x5120xf32>
    %swap3A_52 = vector.shape_cast %add3A_46 : vector<192x5120xf32> to vector<1x192x5120xf32>
    tpu.vector_store %arg12[%swap3A_47, %swap3A_48, %swap3A_49], %swap3A_52 {strides = array<i32>} : memref<2x192x5120xf32, #tpu.memory_space<vmem>>, vector<1x192x5120xf32>,
    %broadcast_in_dim3A = arith.constant 0.000000e+00 : f32
    %broadcast_in_dim3A_53 = vector.broadcast %broadcast_in_dim3A : f32 to vector<64x512xf32>
    %scan3A = arith.constant 0 : i32
    %scan3A_54 = arith.constant 20 : i32
    %scan3A_55 = arith.addi %scan3A, %scan3A_54 : i32
    %scan3A_56 = arith.constant 1 : i32
    %scan3A_57 = scf.for %scan3A_538 = %scan3A to %scan3A_55 step %scan3A_56 iter_args(%scan3A_539 = %broadcast_in_dim3A_53) -> (vector<64x512xf32>)  : i32 {
      %mul3A_540 = arith.constant 256 : i32
      %mul3A_541 = arith.muli %scan3A_538, %mul3A_540 : i32
      %get3A_542 = arith.constant 0 : index
      %get3A_543 = arith.constant 0 : index
      %get3A_544 = arith.index_cast %mul3A_541 : i32 to index
      %get3A_545 = vector.load %arg12[%get3A_542, %get3A_543, %get3A_544] : memref<2x192x5120xf32, #tpu.memory_space<vmem>>, vector<1x192x256xf32>
      %get3A_546 = vector.shape_cast %get3A_545 : vector<1x192x256xf32> to vector<192x256xf32>
      %mul3A_547 = arith.constant 256 : i32
      %mul3A_548 = arith.muli %scan3A_538, %mul3A_547 : i32
      %get3A_549 = arith.constant 1 : index
      %get3A_550 = arith.constant 0 : index
      %get3A_551 = arith.index_cast %mul3A_548 : i32 to index
      %get3A_552 = vector.load %arg12[%get3A_549, %get3A_550, %get3A_551] : memref<2x192x5120xf32, #tpu.memory_space<vmem>>, vector<1x192x256xf32>
      %get3A_553 = vector.shape_cast %get3A_552 : vector<1x192x256xf32> to vector<192x256xf32>
      %concatenate3A = tpu.concatenate %get3A_546, %get3A_553 in 1 : vector<192x256xf32>, vector<192x256xf32> -> vector<192x512xf32>
      %dot_general3A_554 = arith.constant dense<0.000000e+00> : vector<192x512xf32>
      %dot_general3A_555 = tpu.matmul %get3A_4, %scan3A_539, %dot_general3A_554 {dimension_numbers = #tpu.dot_dimension_numbers<[1], [0], [0], [1], [0, 0, 1, 1], [], []>, transpose_lhs_hint = false} : vector<192x64xf32>, vector<64x512xf32>, vector<192x512xf32> -> vector<192x512xf32>
      %add3A_556 = vector.broadcast %get3A_10 : vector<192x1xf32> to vector<192x512xf32>
      %add3A_557 = arith.addf %dot_general3A_555, %add3A_556 : vector<192x512xf32>
      %slice3A_558 = vector.extract_strided_slice %concatenate3A {offsets = [0, 0], sizes = [64, 512], strides = [1, 1]} : vector<192x512xf32> to vector<64x512xf32>
      %slice3A_559 = vector.extract_strided_slice %add3A_557 {offsets = [0, 0], sizes = [64, 512], strides = [1, 1]} : vector<192x512xf32> to vector<64x512xf32>
      %add3A_560 = arith.addf %slice3A_558, %slice3A_559 : vector<64x512xf32>
      %logistic3A = arith.negf %add3A_560 : vector<64x512xf32>
      %logistic3A_561 = math.exp %logistic3A : vector<64x512xf32>
      %logistic3A_562 = arith.constant 1.000000e+00 : f32
      %logistic3A_563 = vector.broadcast %logistic3A_562 : f32 to vector<64x512xf32>
      %logistic3A_564 = arith.addf %logistic3A_563, %logistic3A_561 : vector<64x512xf32>
      %logistic3A_565 = arith.divf %logistic3A_563, %logistic3A_564 : vector<64x512xf32>
      %slice3A_566 = vector.extract_strided_slice %concatenate3A {offsets = [64, 0], sizes = [64, 512], strides = [1, 1]} : vector<192x512xf32> to vector<64x512xf32>
      %slice3A_567 = vector.extract_strided_slice %add3A_557 {offsets = [64, 0], sizes = [64, 512], strides = [1, 1]} : vector<192x512xf32> to vector<64x512xf32>
      %add3A_568 = arith.addf %slice3A_566, %slice3A_567 : vector<64x512xf32>
      %logistic3A_569 = arith.negf %add3A_568 : vector<64x512xf32>
      %logistic3A_570 = math.exp %logistic3A_569 : vector<64x512xf32>
      %logistic3A_571 = arith.constant 1.000000e+00 : f32
      %logistic3A_572 = vector.broadcast %logistic3A_571 : f32 to vector<64x512xf32>
      %logistic3A_573 = arith.addf %logistic3A_572, %logistic3A_570 : vector<64x512xf32>
      %logistic3A_574 = arith.divf %logistic3A_572, %logistic3A_573 : vector<64x512xf32>
      %slice3A_575 = vector.extract_strided_slice %concatenate3A {offsets = [128, 0], sizes = [64, 512], strides = [1, 1]} : vector<192x512xf32> to vector<64x512xf32>
      %slice3A_576 = vector.extract_strided_slice %add3A_557 {offsets = [128, 0], sizes = [64, 512], strides = [1, 1]} : vector<192x512xf32> to vector<64x512xf32>
      %mul3A_577 = arith.mulf %logistic3A_565, %slice3A_576 : vector<64x512xf32>
      %add3A_578 = arith.addf %slice3A_575, %mul3A_577 : vector<64x512xf32>
      %tanh3A = math.tanh %add3A_578 : vector<64x512xf32>
      %sub3A_579 = arith.constant 1.000000e+00 : f32
      %sub3A_580 = vector.broadcast %sub3A_579 : f32 to vector<64x512xf32>
      %sub3A_581 = arith.subf %sub3A_580, %logistic3A_574 : vector<64x512xf32>
      %mul3A_582 = arith.mulf %sub3A_581, %tanh3A : vector<64x512xf32>
      %mul3A_583 = arith.mulf %logistic3A_574, %scan3A_539 : vector<64x512xf32>
      %add3A_584 = arith.addf %mul3A_582, %mul3A_583 : vector<64x512xf32>
      %slice3A_585 = vector.extract_strided_slice %add3A_584 {offsets = [0, 0], sizes = [64, 256], strides = [1, 1]} : vector<64x512xf32> to vector<64x256xf32>
      %swap3A_586 = arith.index_cast %scan3A_538 : i32 to index
      %swap3A_587 = arith.constant 0 : index
      %swap3A_588 = arith.constant 0 : index
      %swap3A_589 = vector.load %arg13[%swap3A_586, %swap3A_587, %swap3A_588] : memref<20x64x256xf32, #tpu.memory_space<vmem>>, vector<1x64x256xf32>
      %swap3A_590 = vector.shape_cast %swap3A_589 : vector<1x64x256xf32> to vector<64x256xf32>
      %swap3A_591 = vector.shape_cast %slice3A_585 : vector<64x256xf32> to vector<1x64x256xf32>
      tpu.vector_store %arg13[%swap3A_586, %swap3A_587, %swap3A_588], %swap3A_591 {strides = array<i32>} : memref<20x64x256xf32, #tpu.memory_space<vmem>>, vector<1x64x256xf32>,
      %slice3A_592 = vector.extract_strided_slice %add3A_584 {offsets = [0, 256], sizes = [64, 256], strides = [1, 1]} : vector<64x512xf32> to vector<64x256xf32>
      %swap3A_593 = arith.index_cast %scan3A_538 : i32 to index
      %swap3A_594 = arith.constant 0 : index
      %swap3A_595 = arith.constant 0 : index
      %swap3A_596 = vector.load %arg14[%swap3A_593, %swap3A_594, %swap3A_595] : memref<20x64x256xf32, #tpu.memory_space<vmem>>, vector<1x64x256xf32>
      %swap3A_597 = vector.shape_cast %swap3A_596 : vector<1x64x256xf32> to vector<64x256xf32>
      %swap3A_598 = vector.shape_cast %slice3A_592 : vector<64x256xf32> to vector<1x64x256xf32>
      tpu.vector_store %arg14[%swap3A_593, %swap3A_594, %swap3A_595], %swap3A_598 {strides = array<i32>} : memref<20x64x256xf32, #tpu.memory_space<vmem>>, vector<1x64x256xf32>,
      scf.yield %add3A_584 : vector<64x512xf32>
    }
    %scan3A_58 = arith.constant 20 : i32
    %broadcast_in_dim3A_59 = arith.constant 0.000000e+00 : f32
    %broadcast_in_dim3A_60 = vector.broadcast %broadcast_in_dim3A_59 : f32 to vector<20x256xf32>
    %scan3A_61 = arith.constant 0 : i32
    %scan3A_62 = arith.constant 20 : i32
    %scan3A_63 = arith.addi %scan3A_61, %scan3A_62 : i32
    %scan3A_64 = arith.constant 1 : i32
    %scan3A_65 = scf.for %scan3A_538 = %scan3A_61 to %scan3A_63 step %scan3A_64 iter_args(%scan3A_539 = %broadcast_in_dim3A_60) -> (vector<20x256xf32>)  : i32 {
      %get3A_540 = arith.index_cast %scan3A_538 : i32 to index
      %get3A_541 = arith.constant 0 : index
      %get3A_542 = arith.constant 0 : index
      %get3A_543 = vector.load %arg13[%get3A_540, %get3A_541, %get3A_542] : memref<20x64x256xf32, #tpu.memory_space<vmem>>, vector<1x64x256xf32>
      %get3A_544 = vector.shape_cast %get3A_543 : vector<1x64x256xf32> to vector<64x256xf32>
      %get3A_545 = arith.constant 0 : index
      %get3A_546 = arith.constant 0 : index
      %get3A_547 = arith.constant 0 : index
      %get3A_548 = vector.load %arg14[%get3A_545, %get3A_546, %get3A_547] : memref<20x64x256xf32, #tpu.memory_space<vmem>>, vector<1x64x256xf32>
      %get3A_549 = vector.shape_cast %get3A_548 : vector<1x64x256xf32> to vector<64x256xf32>
      %mul3A_550 = arith.mulf %get3A_544, %get3A_549 : vector<64x256xf32>
      %reduce_sum3A_551 = arith.constant dense<0.000000e+00> : vector<256xf32>
      %reduce_sum3A_552 = vector.multi_reduction <add>, %mul3A_550, %reduce_sum3A_551 [0] : vector<64x256xf32> to vector<256xf32>
      %tanh3A = math.tanh %reduce_sum3A_552 : vector<256xf32>
      %get3A_553 = arith.constant 1 : index
      %get3A_554 = arith.constant 0 : index
      %get3A_555 = arith.constant 0 : index
      %get3A_556 = vector.load %arg14[%get3A_553, %get3A_554, %get3A_555] : memref<20x64x256xf32, #tpu.memory_space<vmem>>, vector<1x64x256xf32>
      %get3A_557 = vector.shape_cast %get3A_556 : vector<1x64x256xf32> to vector<64x256xf32>
      %mul3A_558 = arith.mulf %get3A_544, %get3A_557 : vector<64x256xf32>
      %reduce_sum3A_559 = arith.constant dense<0.000000e+00> : vector<256xf32>
      %reduce_sum3A_560 = vector.multi_reduction <add>, %mul3A_558, %reduce_sum3A_559 [0] : vector<64x256xf32> to vector<256xf32>
      %tanh3A_561 = math.tanh %reduce_sum3A_560 : vector<256xf32>
      %get3A_562 = arith.constant 2 : index
      %get3A_563 = arith.constant 0 : index
      %get3A_564 = arith.constant 0 : index
      %get3A_565 = vector.load %arg14[%get3A_562, %get3A_563, %get3A_564] : memref<20x64x256xf32, #tpu.memory_space<vmem>>, vector<1x64x256xf32>
      %get3A_566 = vector.shape_cast %get3A_565 : vector<1x64x256xf32> to vector<64x256xf32>
      %mul3A_567 = arith.mulf %get3A_544, %get3A_566 : vector<64x256xf32>
      %reduce_sum3A_568 = arith.constant dense<0.000000e+00> : vector<256xf32>
      %reduce_sum3A_569 = vector.multi_reduction <add>, %mul3A_567, %reduce_sum3A_568 [0] : vector<64x256xf32> to vector<256xf32>
      %tanh3A_570 = math.tanh %reduce_sum3A_569 : vector<256xf32>
      %get3A_571 = arith.constant 3 : index
      %get3A_572 = arith.constant 0 : index
      %get3A_573 = arith.constant 0 : index
      %get3A_574 = vector.load %arg14[%get3A_571, %get3A_572, %get3A_573] : memref<20x64x256xf32, #tpu.memory_space<vmem>>, vector<1x64x256xf32>
      %get3A_575 = vector.shape_cast %get3A_574 : vector<1x64x256xf32> to vector<64x256xf32>
      %mul3A_576 = arith.mulf %get3A_544, %get3A_575 : vector<64x256xf32>
      %reduce_sum3A_577 = arith.constant dense<0.000000e+00> : vector<256xf32>
      %reduce_sum3A_578 = vector.multi_reduction <add>, %mul3A_576, %reduce_sum3A_577 [0] : vector<64x256xf32> to vector<256xf32>
      %tanh3A_579 = math.tanh %reduce_sum3A_578 : vector<256xf32>
      %get3A_580 = arith.constant 4 : index
      %get3A_581 = arith.constant 0 : index
      %get3A_582 = arith.constant 0 : index
      %get3A_583 = vector.load %arg14[%get3A_580, %get3A_581, %get3A_582] : memref<20x64x256xf32, #tpu.memory_space<vmem>>, vector<1x64x256xf32>
      %get3A_584 = vector.shape_cast %get3A_583 : vector<1x64x256xf32> to vector<64x256xf32>
      %mul3A_585 = arith.mulf %get3A_544, %get3A_584 : vector<64x256xf32>
      %reduce_sum3A_586 = arith.constant dense<0.000000e+00> : vector<256xf32>
      %reduce_sum3A_587 = vector.multi_reduction <add>, %mul3A_585, %reduce_sum3A_586 [0] : vector<64x256xf32> to vector<256xf32>
      %tanh3A_588 = math.tanh %reduce_sum3A_587 : vector<256xf32>
      %get3A_589 = arith.constant 5 : index
      %get3A_590 = arith.constant 0 : index
      %get3A_591 = arith.constant 0 : index
      %get3A_592 = vector.load %arg14[%get3A_589, %get3A_590, %get3A_591] : memref<20x64x256xf32, #tpu.memory_space<vmem>>, vector<1x64x256xf32>
      %get3A_593 = vector.shape_cast %get3A_592 : vector<1x64x256xf32> to vector<64x256xf32>
      %mul3A_594 = arith.mulf %get3A_544, %get3A_593 : vector<64x256xf32>
      %reduce_sum3A_595 = arith.constant dense<0.000000e+00> : vector<256xf32>
      %reduce_sum3A_596 = vector.multi_reduction <add>, %mul3A_594, %reduce_sum3A_595 [0] : vector<64x256xf32> to vector<256xf32>
      %tanh3A_597 = math.tanh %reduce_sum3A_596 : vector<256xf32>
      %get3A_598 = arith.constant 6 : index
      %get3A_599 = arith.constant 0 : index
      %get3A_600 = arith.constant 0 : index
      %get3A_601 = vector.load %arg14[%get3A_598, %get3A_599, %get3A_600] : memref<20x64x256xf32, #tpu.memory_space<vmem>>, vector<1x64x256xf32>
      %get3A_602 = vector.shape_cast %get3A_601 : vector<1x64x256xf32> to vector<64x256xf32>
      %mul3A_603 = arith.mulf %get3A_544, %get3A_602 : vector<64x256xf32>
      %reduce_sum3A_604 = arith.constant dense<0.000000e+00> : vector<256xf32>
      %reduce_sum3A_605 = vector.multi_reduction <add>, %mul3A_603, %reduce_sum3A_604 [0] : vector<64x256xf32> to vector<256xf32>
      %tanh3A_606 = math.tanh %reduce_sum3A_605 : vector<256xf32>
      %get3A_607 = arith.constant 7 : index
      %get3A_608 = arith.constant 0 : index
      %get3A_609 = arith.constant 0 : index
      %get3A_610 = vector.load %arg14[%get3A_607, %get3A_608, %get3A_609] : memref<20x64x256xf32, #tpu.memory_space<vmem>>, vector<1x64x256xf32>
      %get3A_611 = vector.shape_cast %get3A_610 : vector<1x64x256xf32> to vector<64x256xf32>
      %mul3A_612 = arith.mulf %get3A_544, %get3A_611 : vector<64x256xf32>
      %reduce_sum3A_613 = arith.constant dense<0.000000e+00> : vector<256xf32>
      %reduce_sum3A_614 = vector.multi_reduction <add>, %mul3A_612, %reduce_sum3A_613 [0] : vector<64x256xf32> to vector<256xf32>
      %tanh3A_615 = math.tanh %reduce_sum3A_614 : vector<256xf32>
      %get3A_616 = arith.constant 8 : index
      %get3A_617 = arith.constant 0 : index
      %get3A_618 = arith.constant 0 : index
      %get3A_619 = vector.load %arg14[%get3A_616, %get3A_617, %get3A_618] : memref<20x64x256xf32, #tpu.memory_space<vmem>>, vector<1x64x256xf32>
      %get3A_620 = vector.shape_cast %get3A_619 : vector<1x64x256xf32> to vector<64x256xf32>
      %mul3A_621 = arith.mulf %get3A_544, %get3A_620 : vector<64x256xf32>
      %reduce_sum3A_622 = arith.constant dense<0.000000e+00> : vector<256xf32>
      %reduce_sum3A_623 = vector.multi_reduction <add>, %mul3A_621, %reduce_sum3A_622 [0] : vector<64x256xf32> to vector<256xf32>
      %tanh3A_624 = math.tanh %reduce_sum3A_623 : vector<256xf32>
      %get3A_625 = arith.constant 9 : index
      %get3A_626 = arith.constant 0 : index
      %get3A_627 = arith.constant 0 : index
      %get3A_628 = vector.load %arg14[%get3A_625, %get3A_626, %get3A_627] : memref<20x64x256xf32, #tpu.memory_space<vmem>>, vector<1x64x256xf32>
      %get3A_629 = vector.shape_cast %get3A_628 : vector<1x64x256xf32> to vector<64x256xf32>
      %mul3A_630 = arith.mulf %get3A_544, %get3A_629 : vector<64x256xf32>
      %reduce_sum3A_631 = arith.constant dense<0.000000e+00> : vector<256xf32>
      %reduce_sum3A_632 = vector.multi_reduction <add>, %mul3A_630, %reduce_sum3A_631 [0] : vector<64x256xf32> to vector<256xf32>
      %tanh3A_633 = math.tanh %reduce_sum3A_632 : vector<256xf32>
      %get3A_634 = arith.constant 10 : index
      %get3A_635 = arith.constant 0 : index
      %get3A_636 = arith.constant 0 : index
      %get3A_637 = vector.load %arg14[%get3A_634, %get3A_635, %get3A_636] : memref<20x64x256xf32, #tpu.memory_space<vmem>>, vector<1x64x256xf32>
      %get3A_638 = vector.shape_cast %get3A_637 : vector<1x64x256xf32> to vector<64x256xf32>
      %mul3A_639 = arith.mulf %get3A_544, %get3A_638 : vector<64x256xf32>
      %reduce_sum3A_640 = arith.constant dense<0.000000e+00> : vector<256xf32>
      %reduce_sum3A_641 = vector.multi_reduction <add>, %mul3A_639, %reduce_sum3A_640 [0] : vector<64x256xf32> to vector<256xf32>
      %tanh3A_642 = math.tanh %reduce_sum3A_641 : vector<256xf32>
      %get3A_643 = arith.constant 11 : index
      %get3A_644 = arith.constant 0 : index
      %get3A_645 = arith.constant 0 : index
      %get3A_646 = vector.load %arg14[%get3A_643, %get3A_644, %get3A_645] : memref<20x64x256xf32, #tpu.memory_space<vmem>>, vector<1x64x256xf32>
      %get3A_647 = vector.shape_cast %get3A_646 : vector<1x64x256xf32> to vector<64x256xf32>
      %mul3A_648 = arith.mulf %get3A_544, %get3A_647 : vector<64x256xf32>
      %reduce_sum3A_649 = arith.constant dense<0.000000e+00> : vector<256xf32>
      %reduce_sum3A_650 = vector.multi_reduction <add>, %mul3A_648, %reduce_sum3A_649 [0] : vector<64x256xf32> to vector<256xf32>
      %tanh3A_651 = math.tanh %reduce_sum3A_650 : vector<256xf32>
      %get3A_652 = arith.constant 12 : index
      %get3A_653 = arith.constant 0 : index
      %get3A_654 = arith.constant 0 : index
      %get3A_655 = vector.load %arg14[%get3A_652, %get3A_653, %get3A_654] : memref<20x64x256xf32, #tpu.memory_space<vmem>>, vector<1x64x256xf32>
      %get3A_656 = vector.shape_cast %get3A_655 : vector<1x64x256xf32> to vector<64x256xf32>
      %mul3A_657 = arith.mulf %get3A_544, %get3A_656 : vector<64x256xf32>
      %reduce_sum3A_658 = arith.constant dense<0.000000e+00> : vector<256xf32>
      %reduce_sum3A_659 = vector.multi_reduction <add>, %mul3A_657, %reduce_sum3A_658 [0] : vector<64x256xf32> to vector<256xf32>
      %tanh3A_660 = math.tanh %reduce_sum3A_659 : vector<256xf32>
      %get3A_661 = arith.constant 13 : index
      %get3A_662 = arith.constant 0 : index
      %get3A_663 = arith.constant 0 : index
      %get3A_664 = vector.load %arg14[%get3A_661, %get3A_662, %get3A_663] : memref<20x64x256xf32, #tpu.memory_space<vmem>>, vector<1x64x256xf32>
      %get3A_665 = vector.shape_cast %get3A_664 : vector<1x64x256xf32> to vector<64x256xf32>
      %mul3A_666 = arith.mulf %get3A_544, %get3A_665 : vector<64x256xf32>
      %reduce_sum3A_667 = arith.constant dense<0.000000e+00> : vector<256xf32>
      %reduce_sum3A_668 = vector.multi_reduction <add>, %mul3A_666, %reduce_sum3A_667 [0] : vector<64x256xf32> to vector<256xf32>
      %tanh3A_669 = math.tanh %reduce_sum3A_668 : vector<256xf32>
      %get3A_670 = arith.constant 14 : index
      %get3A_671 = arith.constant 0 : index
      %get3A_672 = arith.constant 0 : index
      %get3A_673 = vector.load %arg14[%get3A_670, %get3A_671, %get3A_672] : memref<20x64x256xf32, #tpu.memory_space<vmem>>, vector<1x64x256xf32>
      %get3A_674 = vector.shape_cast %get3A_673 : vector<1x64x256xf32> to vector<64x256xf32>
      %mul3A_675 = arith.mulf %get3A_544, %get3A_674 : vector<64x256xf32>
      %reduce_sum3A_676 = arith.constant dense<0.000000e+00> : vector<256xf32>
      %reduce_sum3A_677 = vector.multi_reduction <add>, %mul3A_675, %reduce_sum3A_676 [0] : vector<64x256xf32> to vector<256xf32>
      %tanh3A_678 = math.tanh %reduce_sum3A_677 : vector<256xf32>
      %get3A_679 = arith.constant 15 : index
      %get3A_680 = arith.constant 0 : index
      %get3A_681 = arith.constant 0 : index
      %get3A_682 = vector.load %arg14[%get3A_679, %get3A_680, %get3A_681] : memref<20x64x256xf32, #tpu.memory_space<vmem>>, vector<1x64x256xf32>
      %get3A_683 = vector.shape_cast %get3A_682 : vector<1x64x256xf32> to vector<64x256xf32>
      %mul3A_684 = arith.mulf %get3A_544, %get3A_683 : vector<64x256xf32>
      %reduce_sum3A_685 = arith.constant dense<0.000000e+00> : vector<256xf32>
      %reduce_sum3A_686 = vector.multi_reduction <add>, %mul3A_684, %reduce_sum3A_685 [0] : vector<64x256xf32> to vector<256xf32>
      %tanh3A_687 = math.tanh %reduce_sum3A_686 : vector<256xf32>
      %get3A_688 = arith.constant 16 : index
      %get3A_689 = arith.constant 0 : index
      %get3A_690 = arith.constant 0 : index
      %get3A_691 = vector.load %arg14[%get3A_688, %get3A_689, %get3A_690] : memref<20x64x256xf32, #tpu.memory_space<vmem>>, vector<1x64x256xf32>
      %get3A_692 = vector.shape_cast %get3A_691 : vector<1x64x256xf32> to vector<64x256xf32>
      %mul3A_693 = arith.mulf %get3A_544, %get3A_692 : vector<64x256xf32>
      %reduce_sum3A_694 = arith.constant dense<0.000000e+00> : vector<256xf32>
      %reduce_sum3A_695 = vector.multi_reduction <add>, %mul3A_693, %reduce_sum3A_694 [0] : vector<64x256xf32> to vector<256xf32>
      %tanh3A_696 = math.tanh %reduce_sum3A_695 : vector<256xf32>
      %get3A_697 = arith.constant 17 : index
      %get3A_698 = arith.constant 0 : index
      %get3A_699 = arith.constant 0 : index
      %get3A_700 = vector.load %arg14[%get3A_697, %get3A_698, %get3A_699] : memref<20x64x256xf32, #tpu.memory_space<vmem>>, vector<1x64x256xf32>
      %get3A_701 = vector.shape_cast %get3A_700 : vector<1x64x256xf32> to vector<64x256xf32>
      %mul3A_702 = arith.mulf %get3A_544, %get3A_701 : vector<64x256xf32>
      %reduce_sum3A_703 = arith.constant dense<0.000000e+00> : vector<256xf32>
      %reduce_sum3A_704 = vector.multi_reduction <add>, %mul3A_702, %reduce_sum3A_703 [0] : vector<64x256xf32> to vector<256xf32>
      %tanh3A_705 = math.tanh %reduce_sum3A_704 : vector<256xf32>
      %get3A_706 = arith.constant 18 : index
      %get3A_707 = arith.constant 0 : index
      %get3A_708 = arith.constant 0 : index
      %get3A_709 = vector.load %arg14[%get3A_706, %get3A_707, %get3A_708] : memref<20x64x256xf32, #tpu.memory_space<vmem>>, vector<1x64x256xf32>
      %get3A_710 = vector.shape_cast %get3A_709 : vector<1x64x256xf32> to vector<64x256xf32>
      %mul3A_711 = arith.mulf %get3A_544, %get3A_710 : vector<64x256xf32>
      %reduce_sum3A_712 = arith.constant dense<0.000000e+00> : vector<256xf32>
      %reduce_sum3A_713 = vector.multi_reduction <add>, %mul3A_711, %reduce_sum3A_712 [0] : vector<64x256xf32> to vector<256xf32>
      %tanh3A_714 = math.tanh %reduce_sum3A_713 : vector<256xf32>
      %get3A_715 = arith.constant 19 : index
      %get3A_716 = arith.constant 0 : index
      %get3A_717 = arith.constant 0 : index
      %get3A_718 = vector.load %arg14[%get3A_715, %get3A_716, %get3A_717] : memref<20x64x256xf32, #tpu.memory_space<vmem>>, vector<1x64x256xf32>
      %get3A_719 = vector.shape_cast %get3A_718 : vector<1x64x256xf32> to vector<64x256xf32>
      %mul3A_720 = arith.mulf %get3A_544, %get3A_719 : vector<64x256xf32>
      %reduce_sum3A_721 = arith.constant dense<0.000000e+00> : vector<256xf32>
      %reduce_sum3A_722 = vector.multi_reduction <add>, %mul3A_720, %reduce_sum3A_721 [0] : vector<64x256xf32> to vector<256xf32>
      %tanh3A_723 = math.tanh %reduce_sum3A_722 : vector<256xf32>
      %stack3A = vector.shape_cast %tanh3A : vector<256xf32> to vector<1x256xf32>
      %stack3A_724 = vector.shape_cast %tanh3A_561 : vector<256xf32> to vector<1x256xf32>
      %stack3A_725 = vector.shape_cast %tanh3A_570 : vector<256xf32> to vector<1x256xf32>
      %stack3A_726 = vector.shape_cast %tanh3A_579 : vector<256xf32> to vector<1x256xf32>
      %stack3A_727 = vector.shape_cast %tanh3A_588 : vector<256xf32> to vector<1x256xf32>
      %stack3A_728 = vector.shape_cast %tanh3A_597 : vector<256xf32> to vector<1x256xf32>
      %stack3A_729 = vector.shape_cast %tanh3A_606 : vector<256xf32> to vector<1x256xf32>
      %stack3A_730 = vector.shape_cast %tanh3A_615 : vector<256xf32> to vector<1x256xf32>
      %stack3A_731 = vector.shape_cast %tanh3A_624 : vector<256xf32> to vector<1x256xf32>
      %stack3A_732 = vector.shape_cast %tanh3A_633 : vector<256xf32> to vector<1x256xf32>
      %stack3A_733 = vector.shape_cast %tanh3A_642 : vector<256xf32> to vector<1x256xf32>
      %stack3A_734 = vector.shape_cast %tanh3A_651 : vector<256xf32> to vector<1x256xf32>
      %stack3A_735 = vector.shape_cast %tanh3A_660 : vector<256xf32> to vector<1x256xf32>
      %stack3A_736 = vector.shape_cast %tanh3A_669 : vector<256xf32> to vector<1x256xf32>
      %stack3A_737 = vector.shape_cast %tanh3A_678 : vector<256xf32> to vector<1x256xf32>
      %stack3A_738 = vector.shape_cast %tanh3A_687 : vector<256xf32> to vector<1x256xf32>
      %stack3A_739 = vector.shape_cast %tanh3A_696 : vector<256xf32> to vector<1x256xf32>
      %stack3A_740 = vector.shape_cast %tanh3A_705 : vector<256xf32> to vector<1x256xf32>
      %stack3A_741 = vector.shape_cast %tanh3A_714 : vector<256xf32> to vector<1x256xf32>
      %stack3A_742 = vector.shape_cast %tanh3A_723 : vector<256xf32> to vector<1x256xf32>
      %stack3A_743 = tpu.concatenate %stack3A, %stack3A_724, %stack3A_725, %stack3A_726, %stack3A_727, %stack3A_728, %stack3A_729, %stack3A_730, %stack3A_731, %stack3A_732, %stack3A_733, %stack3A_734, %stack3A_735, %stack3A_736, %stack3A_737, %stack3A_738, %stack3A_739, %stack3A_740, %stack3A_741, %stack3A_742 in 0 : vector<1x256xf32>, vector<1x256xf32>, vector<1x256xf32>, vector<1x256xf32>, vector<1x256xf32>, vector<1x256xf32>, vector<1x256xf32>, vector<1x256xf32>, vector<1x256xf32>, vector<1x256xf32>, vector<1x256xf32>, vector<1x256xf32>, vector<1x256xf32>, vector<1x256xf32>, vector<1x256xf32>, vector<1x256xf32>, vector<1x256xf32>, vector<1x256xf32>, vector<1x256xf32>, vector<1x256xf32> -> vector<20x256xf32>
      %reduce_sum3A_744 = arith.constant dense<0.000000e+00> : vector<256xf32>
      %reduce_sum3A_745 = vector.multi_reduction <add>, %stack3A_743, %reduce_sum3A_744 [0] : vector<20x256xf32> to vector<256xf32>
      %div3A_746 = arith.constant 2.000000e+01 : f32
      %div3A_747 = vector.broadcast %div3A_746 : f32 to vector<256xf32>
      %div3A_748 = arith.divf %reduce_sum3A_745, %div3A_747 : vector<256xf32>
      %swap3A_749 = arith.index_cast %scan3A_538 : i32 to index
      %swap3A_750 = arith.constant 0 : index
      %swap3A_751 = vector.load %arg15[%swap3A_749, %swap3A_750] : memref<20x256xf32, #tpu.memory_space<vmem>>, vector<1x256xf32>
      %swap3A_752 = vector.shape_cast %swap3A_751 : vector<1x256xf32> to vector<256xf32>
      %swap3A_753 = vector.shape_cast %div3A_748 : vector<256xf32> to vector<1x256xf32>
      tpu.vector_store %arg15[%swap3A_749, %swap3A_750], %swap3A_753 {strides = array<i32>} : memref<20x256xf32, #tpu.memory_space<vmem>>, vector<1x256xf32>,
      %add3A_754 = arith.addf %scan3A_539, %stack3A_743 : vector<20x256xf32>
      scf.yield %add3A_754 : vector<20x256xf32>
    }
    %scan3A_66 = arith.constant 20 : i32
    %get3A_67 = arith.constant 0 : index
    %get3A_68 = arith.constant 0 : index
    %get3A_69 = vector.load %arg15[%get3A_67, %get3A_68] : memref<20x256xf32, #tpu.memory_space<vmem>>, vector<20x256xf32>
    %reduce_max3A = arith.constant dense<0xFF800000> : vector<256xf32>
    %reduce_max3A_70 = vector.multi_reduction <maximumf>, %get3A_69, %reduce_max3A [0] : vector<20x256xf32> to vector<256xf32>
    %broadcast_in_dim3A_71 = vector.shape_cast %reduce_max3A_70 : vector<256xf32> to vector<1x256xf32>
    %sub3A = vector.broadcast %broadcast_in_dim3A_71 : vector<1x256xf32> to vector<20x256xf32>
    %sub3A_72 = arith.subf %get3A_69, %sub3A : vector<20x256xf32>
    %exp3A = math.exp %sub3A_72 : vector<20x256xf32>
    %reduce_sum3A = arith.constant dense<0.000000e+00> : vector<256xf32>
    %reduce_sum3A_73 = vector.multi_reduction <add>, %exp3A, %reduce_sum3A [0] : vector<20x256xf32> to vector<256xf32>
    %broadcast_in_dim3A_74 = vector.shape_cast %reduce_sum3A_73 : vector<256xf32> to vector<1x256xf32>
    %div3A = vector.broadcast %broadcast_in_dim3A_74 : vector<1x256xf32> to vector<20x256xf32>
    %div3A_75 = arith.divf %exp3A, %div3A : vector<20x256xf32>
    %div3A_76 = arith.constant 2.000000e+01 : f32
    %div3A_77 = vector.broadcast %div3A_76 : f32 to vector<20x256xf32>
    %div3A_78 = arith.divf %scan3A_65, %div3A_77 : vector<20x256xf32>
    %reduce_max3A_79 = arith.constant dense<0xFF800000> : vector<256xf32>
    %reduce_max3A_80 = vector.multi_reduction <maximumf>, %div3A_78, %reduce_max3A_79 [0] : vector<20x256xf32> to vector<256xf32>
    %broadcast_in_dim3A_81 = vector.shape_cast %reduce_max3A_80 : vector<256xf32> to vector<1x256xf32>
    %sub3A_82 = vector.broadcast %broadcast_in_dim3A_81 : vector<1x256xf32> to vector<20x256xf32>
    %sub3A_83 = arith.subf %div3A_78, %sub3A_82 : vector<20x256xf32>
    %exp3A_84 = math.exp %sub3A_83 : vector<20x256xf32>
    %reduce_sum3A_85 = arith.constant dense<0.000000e+00> : vector<256xf32>
    %reduce_sum3A_86 = vector.multi_reduction <add>, %exp3A_84, %reduce_sum3A_85 [0] : vector<20x256xf32> to vector<256xf32>
    %broadcast_in_dim3A_87 = vector.shape_cast %reduce_sum3A_86 : vector<256xf32> to vector<1x256xf32>
    %div3A_88 = vector.broadcast %broadcast_in_dim3A_87 : vector<1x256xf32> to vector<20x256xf32>
    %div3A_89 = arith.divf %exp3A_84, %div3A_88 : vector<20x256xf32>
    %broadcast_in_dim3A_90 = arith.constant 0.000000e+00 : f32
    %broadcast_in_dim3A_91 = vector.broadcast %broadcast_in_dim3A_90 : f32 to vector<64x256xf32>
    %broadcast_in_dim3A_92 = arith.constant 0.000000e+00 : f32
    %broadcast_in_dim3A_93 = vector.broadcast %broadcast_in_dim3A_92 : f32 to vector<64x256xf32>
    %slice3A = vector.extract_strided_slice %div3A_75 {offsets = [0, 0], sizes = [1, 256], strides = [1, 1]} : vector<20x256xf32> to vector<1x256xf32>
    %squeeze3A = vector.shape_cast %slice3A : vector<1x256xf32> to vector<256xf32>
    %broadcast_in_dim3A_94 = vector.shape_cast %squeeze3A : vector<256xf32> to vector<1x256xf32>
    %get3A_95 = arith.constant 0 : index
    %get3A_96 = arith.constant 0 : index
    %get3A_97 = arith.constant 0 : index
    %get3A_98 = vector.load %arg13[%get3A_95, %get3A_96, %get3A_97] : memref<20x64x256xf32, #tpu.memory_space<vmem>>, vector<1x64x256xf32>
    %get3A_99 = vector.shape_cast %get3A_98 : vector<1x64x256xf32> to vector<64x256xf32>
    %mul3A_100 = vector.broadcast %broadcast_in_dim3A_94 : vector<1x256xf32> to vector<64x256xf32>
    %mul3A_101 = arith.mulf %mul3A_100, %get3A_99 : vector<64x256xf32>
    %add3A_102 = arith.addf %broadcast_in_dim3A_91, %mul3A_101 : vector<64x256xf32>
    %slice3A_103 = vector.extract_strided_slice %div3A_89 {offsets = [0, 0], sizes = [1, 256], strides = [1, 1]} : vector<20x256xf32> to vector<1x256xf32>
    %squeeze3A_104 = vector.shape_cast %slice3A_103 : vector<1x256xf32> to vector<256xf32>
    %broadcast_in_dim3A_105 = vector.shape_cast %squeeze3A_104 : vector<256xf32> to vector<1x256xf32>
    %get3A_106 = arith.constant 0 : index
    %get3A_107 = arith.constant 0 : index
    %get3A_108 = arith.constant 0 : index
    %get3A_109 = vector.load %arg14[%get3A_106, %get3A_107, %get3A_108] : memref<20x64x256xf32, #tpu.memory_space<vmem>>, vector<1x64x256xf32>
    %get3A_110 = vector.shape_cast %get3A_109 : vector<1x64x256xf32> to vector<64x256xf32>
    %mul3A_111 = vector.broadcast %broadcast_in_dim3A_105 : vector<1x256xf32> to vector<64x256xf32>
    %mul3A_112 = arith.mulf %mul3A_111, %get3A_110 : vector<64x256xf32>
    %add3A_113 = arith.addf %broadcast_in_dim3A_93, %mul3A_112 : vector<64x256xf32>
    %slice3A_114 = vector.extract_strided_slice %div3A_75 {offsets = [1, 0], sizes = [1, 256], strides = [1, 1]} : vector<20x256xf32> to vector<1x256xf32>
    %squeeze3A_115 = vector.shape_cast %slice3A_114 : vector<1x256xf32> to vector<256xf32>
    %broadcast_in_dim3A_116 = vector.shape_cast %squeeze3A_115 : vector<256xf32> to vector<1x256xf32>
    %get3A_117 = arith.constant 1 : index
    %get3A_118 = arith.constant 0 : index
    %get3A_119 = arith.constant 0 : index
    %get3A_120 = vector.load %arg13[%get3A_117, %get3A_118, %get3A_119] : memref<20x64x256xf32, #tpu.memory_space<vmem>>, vector<1x64x256xf32>
    %get3A_121 = vector.shape_cast %get3A_120 : vector<1x64x256xf32> to vector<64x256xf32>
    %mul3A_122 = vector.broadcast %broadcast_in_dim3A_116 : vector<1x256xf32> to vector<64x256xf32>
    %mul3A_123 = arith.mulf %mul3A_122, %get3A_121 : vector<64x256xf32>
    %add3A_124 = arith.addf %add3A_102, %mul3A_123 : vector<64x256xf32>
    %slice3A_125 = vector.extract_strided_slice %div3A_89 {offsets = [1, 0], sizes = [1, 256], strides = [1, 1]} : vector<20x256xf32> to vector<1x256xf32>
    %squeeze3A_126 = vector.shape_cast %slice3A_125 : vector<1x256xf32> to vector<256xf32>
    %broadcast_in_dim3A_127 = vector.shape_cast %squeeze3A_126 : vector<256xf32> to vector<1x256xf32>
    %get3A_128 = arith.constant 1 : index
    %get3A_129 = arith.constant 0 : index
    %get3A_130 = arith.constant 0 : index
    %get3A_131 = vector.load %arg14[%get3A_128, %get3A_129, %get3A_130] : memref<20x64x256xf32, #tpu.memory_space<vmem>>, vector<1x64x256xf32>
    %get3A_132 = vector.shape_cast %get3A_131 : vector<1x64x256xf32> to vector<64x256xf32>
    %mul3A_133 = vector.broadcast %broadcast_in_dim3A_127 : vector<1x256xf32> to vector<64x256xf32>
    %mul3A_134 = arith.mulf %mul3A_133, %get3A_132 : vector<64x256xf32>
    %add3A_135 = arith.addf %add3A_113, %mul3A_134 : vector<64x256xf32>
    %slice3A_136 = vector.extract_strided_slice %div3A_75 {offsets = [2, 0], sizes = [1, 256], strides = [1, 1]} : vector<20x256xf32> to vector<1x256xf32>
    %squeeze3A_137 = vector.shape_cast %slice3A_136 : vector<1x256xf32> to vector<256xf32>
    %broadcast_in_dim3A_138 = vector.shape_cast %squeeze3A_137 : vector<256xf32> to vector<1x256xf32>
    %get3A_139 = arith.constant 2 : index
    %get3A_140 = arith.constant 0 : index
    %get3A_141 = arith.constant 0 : index
    %get3A_142 = vector.load %arg13[%get3A_139, %get3A_140, %get3A_141] : memref<20x64x256xf32, #tpu.memory_space<vmem>>, vector<1x64x256xf32>
    %get3A_143 = vector.shape_cast %get3A_142 : vector<1x64x256xf32> to vector<64x256xf32>
    %mul3A_144 = vector.broadcast %broadcast_in_dim3A_138 : vector<1x256xf32> to vector<64x256xf32>
    %mul3A_145 = arith.mulf %mul3A_144, %get3A_143 : vector<64x256xf32>
    %add3A_146 = arith.addf %add3A_124, %mul3A_145 : vector<64x256xf32>
    %slice3A_147 = vector.extract_strided_slice %div3A_89 {offsets = [2, 0], sizes = [1, 256], strides = [1, 1]} : vector<20x256xf32> to vector<1x256xf32>
    %squeeze3A_148 = vector.shape_cast %slice3A_147 : vector<1x256xf32> to vector<256xf32>
    %broadcast_in_dim3A_149 = vector.shape_cast %squeeze3A_148 : vector<256xf32> to vector<1x256xf32>
    %get3A_150 = arith.constant 2 : index
    %get3A_151 = arith.constant 0 : index
    %get3A_152 = arith.constant 0 : index
    %get3A_153 = vector.load %arg14[%get3A_150, %get3A_151, %get3A_152] : memref<20x64x256xf32, #tpu.memory_space<vmem>>, vector<1x64x256xf32>
    %get3A_154 = vector.shape_cast %get3A_153 : vector<1x64x256xf32> to vector<64x256xf32>
    %mul3A_155 = vector.broadcast %broadcast_in_dim3A_149 : vector<1x256xf32> to vector<64x256xf32>
    %mul3A_156 = arith.mulf %mul3A_155, %get3A_154 : vector<64x256xf32>
    %add3A_157 = arith.addf %add3A_135, %mul3A_156 : vector<64x256xf32>
    %slice3A_158 = vector.extract_strided_slice %div3A_75 {offsets = [3, 0], sizes = [1, 256], strides = [1, 1]} : vector<20x256xf32> to vector<1x256xf32>
    %squeeze3A_159 = vector.shape_cast %slice3A_158 : vector<1x256xf32> to vector<256xf32>
    %broadcast_in_dim3A_160 = vector.shape_cast %squeeze3A_159 : vector<256xf32> to vector<1x256xf32>
    %get3A_161 = arith.constant 3 : index
    %get3A_162 = arith.constant 0 : index
    %get3A_163 = arith.constant 0 : index
    %get3A_164 = vector.load %arg13[%get3A_161, %get3A_162, %get3A_163] : memref<20x64x256xf32, #tpu.memory_space<vmem>>, vector<1x64x256xf32>
    %get3A_165 = vector.shape_cast %get3A_164 : vector<1x64x256xf32> to vector<64x256xf32>
    %mul3A_166 = vector.broadcast %broadcast_in_dim3A_160 : vector<1x256xf32> to vector<64x256xf32>
    %mul3A_167 = arith.mulf %mul3A_166, %get3A_165 : vector<64x256xf32>
    %add3A_168 = arith.addf %add3A_146, %mul3A_167 : vector<64x256xf32>
    %slice3A_169 = vector.extract_strided_slice %div3A_89 {offsets = [3, 0], sizes = [1, 256], strides = [1, 1]} : vector<20x256xf32> to vector<1x256xf32>
    %squeeze3A_170 = vector.shape_cast %slice3A_169 : vector<1x256xf32> to vector<256xf32>
    %broadcast_in_dim3A_171 = vector.shape_cast %squeeze3A_170 : vector<256xf32> to vector<1x256xf32>
    %get3A_172 = arith.constant 3 : index
    %get3A_173 = arith.constant 0 : index
    %get3A_174 = arith.constant 0 : index
    %get3A_175 = vector.load %arg14[%get3A_172, %get3A_173, %get3A_174] : memref<20x64x256xf32, #tpu.memory_space<vmem>>, vector<1x64x256xf32>
    %get3A_176 = vector.shape_cast %get3A_175 : vector<1x64x256xf32> to vector<64x256xf32>
    %mul3A_177 = vector.broadcast %broadcast_in_dim3A_171 : vector<1x256xf32> to vector<64x256xf32>
    %mul3A_178 = arith.mulf %mul3A_177, %get3A_176 : vector<64x256xf32>
    %add3A_179 = arith.addf %add3A_157, %mul3A_178 : vector<64x256xf32>
    %slice3A_180 = vector.extract_strided_slice %div3A_75 {offsets = [4, 0], sizes = [1, 256], strides = [1, 1]} : vector<20x256xf32> to vector<1x256xf32>
    %squeeze3A_181 = vector.shape_cast %slice3A_180 : vector<1x256xf32> to vector<256xf32>
    %broadcast_in_dim3A_182 = vector.shape_cast %squeeze3A_181 : vector<256xf32> to vector<1x256xf32>
    %get3A_183 = arith.constant 4 : index
    %get3A_184 = arith.constant 0 : index
    %get3A_185 = arith.constant 0 : index
    %get3A_186 = vector.load %arg13[%get3A_183, %get3A_184, %get3A_185] : memref<20x64x256xf32, #tpu.memory_space<vmem>>, vector<1x64x256xf32>
    %get3A_187 = vector.shape_cast %get3A_186 : vector<1x64x256xf32> to vector<64x256xf32>
    %mul3A_188 = vector.broadcast %broadcast_in_dim3A_182 : vector<1x256xf32> to vector<64x256xf32>
    %mul3A_189 = arith.mulf %mul3A_188, %get3A_187 : vector<64x256xf32>
    %add3A_190 = arith.addf %add3A_168, %mul3A_189 : vector<64x256xf32>
    %slice3A_191 = vector.extract_strided_slice %div3A_89 {offsets = [4, 0], sizes = [1, 256], strides = [1, 1]} : vector<20x256xf32> to vector<1x256xf32>
    %squeeze3A_192 = vector.shape_cast %slice3A_191 : vector<1x256xf32> to vector<256xf32>
    %broadcast_in_dim3A_193 = vector.shape_cast %squeeze3A_192 : vector<256xf32> to vector<1x256xf32>
    %get3A_194 = arith.constant 4 : index
    %get3A_195 = arith.constant 0 : index
    %get3A_196 = arith.constant 0 : index
    %get3A_197 = vector.load %arg14[%get3A_194, %get3A_195, %get3A_196] : memref<20x64x256xf32, #tpu.memory_space<vmem>>, vector<1x64x256xf32>
    %get3A_198 = vector.shape_cast %get3A_197 : vector<1x64x256xf32> to vector<64x256xf32>
    %mul3A_199 = vector.broadcast %broadcast_in_dim3A_193 : vector<1x256xf32> to vector<64x256xf32>
    %mul3A_200 = arith.mulf %mul3A_199, %get3A_198 : vector<64x256xf32>
    %add3A_201 = arith.addf %add3A_179, %mul3A_200 : vector<64x256xf32>
    %slice3A_202 = vector.extract_strided_slice %div3A_75 {offsets = [5, 0], sizes = [1, 256], strides = [1, 1]} : vector<20x256xf32> to vector<1x256xf32>
    %squeeze3A_203 = vector.shape_cast %slice3A_202 : vector<1x256xf32> to vector<256xf32>
    %broadcast_in_dim3A_204 = vector.shape_cast %squeeze3A_203 : vector<256xf32> to vector<1x256xf32>
    %get3A_205 = arith.constant 5 : index
    %get3A_206 = arith.constant 0 : index
    %get3A_207 = arith.constant 0 : index
    %get3A_208 = vector.load %arg13[%get3A_205, %get3A_206, %get3A_207] : memref<20x64x256xf32, #tpu.memory_space<vmem>>, vector<1x64x256xf32>
    %get3A_209 = vector.shape_cast %get3A_208 : vector<1x64x256xf32> to vector<64x256xf32>
    %mul3A_210 = vector.broadcast %broadcast_in_dim3A_204 : vector<1x256xf32> to vector<64x256xf32>
    %mul3A_211 = arith.mulf %mul3A_210, %get3A_209 : vector<64x256xf32>
    %add3A_212 = arith.addf %add3A_190, %mul3A_211 : vector<64x256xf32>
    %slice3A_213 = vector.extract_strided_slice %div3A_89 {offsets = [5, 0], sizes = [1, 256], strides = [1, 1]} : vector<20x256xf32> to vector<1x256xf32>
    %squeeze3A_214 = vector.shape_cast %slice3A_213 : vector<1x256xf32> to vector<256xf32>
    %broadcast_in_dim3A_215 = vector.shape_cast %squeeze3A_214 : vector<256xf32> to vector<1x256xf32>
    %get3A_216 = arith.constant 5 : index
    %get3A_217 = arith.constant 0 : index
    %get3A_218 = arith.constant 0 : index
    %get3A_219 = vector.load %arg14[%get3A_216, %get3A_217, %get3A_218] : memref<20x64x256xf32, #tpu.memory_space<vmem>>, vector<1x64x256xf32>
    %get3A_220 = vector.shape_cast %get3A_219 : vector<1x64x256xf32> to vector<64x256xf32>
    %mul3A_221 = vector.broadcast %broadcast_in_dim3A_215 : vector<1x256xf32> to vector<64x256xf32>
    %mul3A_222 = arith.mulf %mul3A_221, %get3A_220 : vector<64x256xf32>
    %add3A_223 = arith.addf %add3A_201, %mul3A_222 : vector<64x256xf32>
    %slice3A_224 = vector.extract_strided_slice %div3A_75 {offsets = [6, 0], sizes = [1, 256], strides = [1, 1]} : vector<20x256xf32> to vector<1x256xf32>
    %squeeze3A_225 = vector.shape_cast %slice3A_224 : vector<1x256xf32> to vector<256xf32>
    %broadcast_in_dim3A_226 = vector.shape_cast %squeeze3A_225 : vector<256xf32> to vector<1x256xf32>
    %get3A_227 = arith.constant 6 : index
    %get3A_228 = arith.constant 0 : index
    %get3A_229 = arith.constant 0 : index
    %get3A_230 = vector.load %arg13[%get3A_227, %get3A_228, %get3A_229] : memref<20x64x256xf32, #tpu.memory_space<vmem>>, vector<1x64x256xf32>
    %get3A_231 = vector.shape_cast %get3A_230 : vector<1x64x256xf32> to vector<64x256xf32>
    %mul3A_232 = vector.broadcast %broadcast_in_dim3A_226 : vector<1x256xf32> to vector<64x256xf32>
    %mul3A_233 = arith.mulf %mul3A_232, %get3A_231 : vector<64x256xf32>
    %add3A_234 = arith.addf %add3A_212, %mul3A_233 : vector<64x256xf32>
    %slice3A_235 = vector.extract_strided_slice %div3A_89 {offsets = [6, 0], sizes = [1, 256], strides = [1, 1]} : vector<20x256xf32> to vector<1x256xf32>
    %squeeze3A_236 = vector.shape_cast %slice3A_235 : vector<1x256xf32> to vector<256xf32>
    %broadcast_in_dim3A_237 = vector.shape_cast %squeeze3A_236 : vector<256xf32> to vector<1x256xf32>
    %get3A_238 = arith.constant 6 : index
    %get3A_239 = arith.constant 0 : index
    %get3A_240 = arith.constant 0 : index
    %get3A_241 = vector.load %arg14[%get3A_238, %get3A_239, %get3A_240] : memref<20x64x256xf32, #tpu.memory_space<vmem>>, vector<1x64x256xf32>
    %get3A_242 = vector.shape_cast %get3A_241 : vector<1x64x256xf32> to vector<64x256xf32>
    %mul3A_243 = vector.broadcast %broadcast_in_dim3A_237 : vector<1x256xf32> to vector<64x256xf32>
    %mul3A_244 = arith.mulf %mul3A_243, %get3A_242 : vector<64x256xf32>
    %add3A_245 = arith.addf %add3A_223, %mul3A_244 : vector<64x256xf32>
    %slice3A_246 = vector.extract_strided_slice %div3A_75 {offsets = [7, 0], sizes = [1, 256], strides = [1, 1]} : vector<20x256xf32> to vector<1x256xf32>
    %squeeze3A_247 = vector.shape_cast %slice3A_246 : vector<1x256xf32> to vector<256xf32>
    %broadcast_in_dim3A_248 = vector.shape_cast %squeeze3A_247 : vector<256xf32> to vector<1x256xf32>
    %get3A_249 = arith.constant 7 : index
    %get3A_250 = arith.constant 0 : index
    %get3A_251 = arith.constant 0 : index
    %get3A_252 = vector.load %arg13[%get3A_249, %get3A_250, %get3A_251] : memref<20x64x256xf32, #tpu.memory_space<vmem>>, vector<1x64x256xf32>
    %get3A_253 = vector.shape_cast %get3A_252 : vector<1x64x256xf32> to vector<64x256xf32>
    %mul3A_254 = vector.broadcast %broadcast_in_dim3A_248 : vector<1x256xf32> to vector<64x256xf32>
    %mul3A_255 = arith.mulf %mul3A_254, %get3A_253 : vector<64x256xf32>
    %add3A_256 = arith.addf %add3A_234, %mul3A_255 : vector<64x256xf32>
    %slice3A_257 = vector.extract_strided_slice %div3A_89 {offsets = [7, 0], sizes = [1, 256], strides = [1, 1]} : vector<20x256xf32> to vector<1x256xf32>
    %squeeze3A_258 = vector.shape_cast %slice3A_257 : vector<1x256xf32> to vector<256xf32>
    %broadcast_in_dim3A_259 = vector.shape_cast %squeeze3A_258 : vector<256xf32> to vector<1x256xf32>
    %get3A_260 = arith.constant 7 : index
    %get3A_261 = arith.constant 0 : index
    %get3A_262 = arith.constant 0 : index
    %get3A_263 = vector.load %arg14[%get3A_260, %get3A_261, %get3A_262] : memref<20x64x256xf32, #tpu.memory_space<vmem>>, vector<1x64x256xf32>
    %get3A_264 = vector.shape_cast %get3A_263 : vector<1x64x256xf32> to vector<64x256xf32>
    %mul3A_265 = vector.broadcast %broadcast_in_dim3A_259 : vector<1x256xf32> to vector<64x256xf32>
    %mul3A_266 = arith.mulf %mul3A_265, %get3A_264 : vector<64x256xf32>
    %add3A_267 = arith.addf %add3A_245, %mul3A_266 : vector<64x256xf32>
    %slice3A_268 = vector.extract_strided_slice %div3A_75 {offsets = [8, 0], sizes = [1, 256], strides = [1, 1]} : vector<20x256xf32> to vector<1x256xf32>
    %squeeze3A_269 = vector.shape_cast %slice3A_268 : vector<1x256xf32> to vector<256xf32>
    %broadcast_in_dim3A_270 = vector.shape_cast %squeeze3A_269 : vector<256xf32> to vector<1x256xf32>
    %get3A_271 = arith.constant 8 : index
    %get3A_272 = arith.constant 0 : index
    %get3A_273 = arith.constant 0 : index
    %get3A_274 = vector.load %arg13[%get3A_271, %get3A_272, %get3A_273] : memref<20x64x256xf32, #tpu.memory_space<vmem>>, vector<1x64x256xf32>
    %get3A_275 = vector.shape_cast %get3A_274 : vector<1x64x256xf32> to vector<64x256xf32>
    %mul3A_276 = vector.broadcast %broadcast_in_dim3A_270 : vector<1x256xf32> to vector<64x256xf32>
    %mul3A_277 = arith.mulf %mul3A_276, %get3A_275 : vector<64x256xf32>
    %add3A_278 = arith.addf %add3A_256, %mul3A_277 : vector<64x256xf32>
    %slice3A_279 = vector.extract_strided_slice %div3A_89 {offsets = [8, 0], sizes = [1, 256], strides = [1, 1]} : vector<20x256xf32> to vector<1x256xf32>
    %squeeze3A_280 = vector.shape_cast %slice3A_279 : vector<1x256xf32> to vector<256xf32>
    %broadcast_in_dim3A_281 = vector.shape_cast %squeeze3A_280 : vector<256xf32> to vector<1x256xf32>
    %get3A_282 = arith.constant 8 : index
    %get3A_283 = arith.constant 0 : index
    %get3A_284 = arith.constant 0 : index
    %get3A_285 = vector.load %arg14[%get3A_282, %get3A_283, %get3A_284] : memref<20x64x256xf32, #tpu.memory_space<vmem>>, vector<1x64x256xf32>
    %get3A_286 = vector.shape_cast %get3A_285 : vector<1x64x256xf32> to vector<64x256xf32>
    %mul3A_287 = vector.broadcast %broadcast_in_dim3A_281 : vector<1x256xf32> to vector<64x256xf32>
    %mul3A_288 = arith.mulf %mul3A_287, %get3A_286 : vector<64x256xf32>
    %add3A_289 = arith.addf %add3A_267, %mul3A_288 : vector<64x256xf32>
    %slice3A_290 = vector.extract_strided_slice %div3A_75 {offsets = [9, 0], sizes = [1, 256], strides = [1, 1]} : vector<20x256xf32> to vector<1x256xf32>
    %squeeze3A_291 = vector.shape_cast %slice3A_290 : vector<1x256xf32> to vector<256xf32>
    %broadcast_in_dim3A_292 = vector.shape_cast %squeeze3A_291 : vector<256xf32> to vector<1x256xf32>
    %get3A_293 = arith.constant 9 : index
    %get3A_294 = arith.constant 0 : index
    %get3A_295 = arith.constant 0 : index
    %get3A_296 = vector.load %arg13[%get3A_293, %get3A_294, %get3A_295] : memref<20x64x256xf32, #tpu.memory_space<vmem>>, vector<1x64x256xf32>
    %get3A_297 = vector.shape_cast %get3A_296 : vector<1x64x256xf32> to vector<64x256xf32>
    %mul3A_298 = vector.broadcast %broadcast_in_dim3A_292 : vector<1x256xf32> to vector<64x256xf32>
    %mul3A_299 = arith.mulf %mul3A_298, %get3A_297 : vector<64x256xf32>
    %add3A_300 = arith.addf %add3A_278, %mul3A_299 : vector<64x256xf32>
    %slice3A_301 = vector.extract_strided_slice %div3A_89 {offsets = [9, 0], sizes = [1, 256], strides = [1, 1]} : vector<20x256xf32> to vector<1x256xf32>
    %squeeze3A_302 = vector.shape_cast %slice3A_301 : vector<1x256xf32> to vector<256xf32>
    %broadcast_in_dim3A_303 = vector.shape_cast %squeeze3A_302 : vector<256xf32> to vector<1x256xf32>
    %get3A_304 = arith.constant 9 : index
    %get3A_305 = arith.constant 0 : index
    %get3A_306 = arith.constant 0 : index
    %get3A_307 = vector.load %arg14[%get3A_304, %get3A_305, %get3A_306] : memref<20x64x256xf32, #tpu.memory_space<vmem>>, vector<1x64x256xf32>
    %get3A_308 = vector.shape_cast %get3A_307 : vector<1x64x256xf32> to vector<64x256xf32>
    %mul3A_309 = vector.broadcast %broadcast_in_dim3A_303 : vector<1x256xf32> to vector<64x256xf32>
    %mul3A_310 = arith.mulf %mul3A_309, %get3A_308 : vector<64x256xf32>
    %add3A_311 = arith.addf %add3A_289, %mul3A_310 : vector<64x256xf32>
    %slice3A_312 = vector.extract_strided_slice %div3A_75 {offsets = [10, 0], sizes = [1, 256], strides = [1, 1]} : vector<20x256xf32> to vector<1x256xf32>
    %squeeze3A_313 = vector.shape_cast %slice3A_312 : vector<1x256xf32> to vector<256xf32>
    %broadcast_in_dim3A_314 = vector.shape_cast %squeeze3A_313 : vector<256xf32> to vector<1x256xf32>
    %get3A_315 = arith.constant 10 : index
    %get3A_316 = arith.constant 0 : index
    %get3A_317 = arith.constant 0 : index
    %get3A_318 = vector.load %arg13[%get3A_315, %get3A_316, %get3A_317] : memref<20x64x256xf32, #tpu.memory_space<vmem>>, vector<1x64x256xf32>
    %get3A_319 = vector.shape_cast %get3A_318 : vector<1x64x256xf32> to vector<64x256xf32>
    %mul3A_320 = vector.broadcast %broadcast_in_dim3A_314 : vector<1x256xf32> to vector<64x256xf32>
    %mul3A_321 = arith.mulf %mul3A_320, %get3A_319 : vector<64x256xf32>
    %add3A_322 = arith.addf %add3A_300, %mul3A_321 : vector<64x256xf32>
    %slice3A_323 = vector.extract_strided_slice %div3A_89 {offsets = [10, 0], sizes = [1, 256], strides = [1, 1]} : vector<20x256xf32> to vector<1x256xf32>
    %squeeze3A_324 = vector.shape_cast %slice3A_323 : vector<1x256xf32> to vector<256xf32>
    %broadcast_in_dim3A_325 = vector.shape_cast %squeeze3A_324 : vector<256xf32> to vector<1x256xf32>
    %get3A_326 = arith.constant 10 : index
    %get3A_327 = arith.constant 0 : index
    %get3A_328 = arith.constant 0 : index
    %get3A_329 = vector.load %arg14[%get3A_326, %get3A_327, %get3A_328] : memref<20x64x256xf32, #tpu.memory_space<vmem>>, vector<1x64x256xf32>
    %get3A_330 = vector.shape_cast %get3A_329 : vector<1x64x256xf32> to vector<64x256xf32>
    %mul3A_331 = vector.broadcast %broadcast_in_dim3A_325 : vector<1x256xf32> to vector<64x256xf32>
    %mul3A_332 = arith.mulf %mul3A_331, %get3A_330 : vector<64x256xf32>
    %add3A_333 = arith.addf %add3A_311, %mul3A_332 : vector<64x256xf32>
    %slice3A_334 = vector.extract_strided_slice %div3A_75 {offsets = [11, 0], sizes = [1, 256], strides = [1, 1]} : vector<20x256xf32> to vector<1x256xf32>
    %squeeze3A_335 = vector.shape_cast %slice3A_334 : vector<1x256xf32> to vector<256xf32>
    %broadcast_in_dim3A_336 = vector.shape_cast %squeeze3A_335 : vector<256xf32> to vector<1x256xf32>
    %get3A_337 = arith.constant 11 : index
    %get3A_338 = arith.constant 0 : index
    %get3A_339 = arith.constant 0 : index
    %get3A_340 = vector.load %arg13[%get3A_337, %get3A_338, %get3A_339] : memref<20x64x256xf32, #tpu.memory_space<vmem>>, vector<1x64x256xf32>
    %get3A_341 = vector.shape_cast %get3A_340 : vector<1x64x256xf32> to vector<64x256xf32>
    %mul3A_342 = vector.broadcast %broadcast_in_dim3A_336 : vector<1x256xf32> to vector<64x256xf32>
    %mul3A_343 = arith.mulf %mul3A_342, %get3A_341 : vector<64x256xf32>
    %add3A_344 = arith.addf %add3A_322, %mul3A_343 : vector<64x256xf32>
    %slice3A_345 = vector.extract_strided_slice %div3A_89 {offsets = [11, 0], sizes = [1, 256], strides = [1, 1]} : vector<20x256xf32> to vector<1x256xf32>
    %squeeze3A_346 = vector.shape_cast %slice3A_345 : vector<1x256xf32> to vector<256xf32>
    %broadcast_in_dim3A_347 = vector.shape_cast %squeeze3A_346 : vector<256xf32> to vector<1x256xf32>
    %get3A_348 = arith.constant 11 : index
    %get3A_349 = arith.constant 0 : index
    %get3A_350 = arith.constant 0 : index
    %get3A_351 = vector.load %arg14[%get3A_348, %get3A_349, %get3A_350] : memref<20x64x256xf32, #tpu.memory_space<vmem>>, vector<1x64x256xf32>
    %get3A_352 = vector.shape_cast %get3A_351 : vector<1x64x256xf32> to vector<64x256xf32>
    %mul3A_353 = vector.broadcast %broadcast_in_dim3A_347 : vector<1x256xf32> to vector<64x256xf32>
    %mul3A_354 = arith.mulf %mul3A_353, %get3A_352 : vector<64x256xf32>
    %add3A_355 = arith.addf %add3A_333, %mul3A_354 : vector<64x256xf32>
    %slice3A_356 = vector.extract_strided_slice %div3A_75 {offsets = [12, 0], sizes = [1, 256], strides = [1, 1]} : vector<20x256xf32> to vector<1x256xf32>
    %squeeze3A_357 = vector.shape_cast %slice3A_356 : vector<1x256xf32> to vector<256xf32>
    %broadcast_in_dim3A_358 = vector.shape_cast %squeeze3A_357 : vector<256xf32> to vector<1x256xf32>
    %get3A_359 = arith.constant 12 : index
    %get3A_360 = arith.constant 0 : index
    %get3A_361 = arith.constant 0 : index
    %get3A_362 = vector.load %arg13[%get3A_359, %get3A_360, %get3A_361] : memref<20x64x256xf32, #tpu.memory_space<vmem>>, vector<1x64x256xf32>
    %get3A_363 = vector.shape_cast %get3A_362 : vector<1x64x256xf32> to vector<64x256xf32>
    %mul3A_364 = vector.broadcast %broadcast_in_dim3A_358 : vector<1x256xf32> to vector<64x256xf32>
    %mul3A_365 = arith.mulf %mul3A_364, %get3A_363 : vector<64x256xf32>
    %add3A_366 = arith.addf %add3A_344, %mul3A_365 : vector<64x256xf32>
    %slice3A_367 = vector.extract_strided_slice %div3A_89 {offsets = [12, 0], sizes = [1, 256], strides = [1, 1]} : vector<20x256xf32> to vector<1x256xf32>
    %squeeze3A_368 = vector.shape_cast %slice3A_367 : vector<1x256xf32> to vector<256xf32>
    %broadcast_in_dim3A_369 = vector.shape_cast %squeeze3A_368 : vector<256xf32> to vector<1x256xf32>
    %get3A_370 = arith.constant 12 : index
    %get3A_371 = arith.constant 0 : index
    %get3A_372 = arith.constant 0 : index
    %get3A_373 = vector.load %arg14[%get3A_370, %get3A_371, %get3A_372] : memref<20x64x256xf32, #tpu.memory_space<vmem>>, vector<1x64x256xf32>
    %get3A_374 = vector.shape_cast %get3A_373 : vector<1x64x256xf32> to vector<64x256xf32>
    %mul3A_375 = vector.broadcast %broadcast_in_dim3A_369 : vector<1x256xf32> to vector<64x256xf32>
    %mul3A_376 = arith.mulf %mul3A_375, %get3A_374 : vector<64x256xf32>
    %add3A_377 = arith.addf %add3A_355, %mul3A_376 : vector<64x256xf32>
    %slice3A_378 = vector.extract_strided_slice %div3A_75 {offsets = [13, 0], sizes = [1, 256], strides = [1, 1]} : vector<20x256xf32> to vector<1x256xf32>
    %squeeze3A_379 = vector.shape_cast %slice3A_378 : vector<1x256xf32> to vector<256xf32>
    %broadcast_in_dim3A_380 = vector.shape_cast %squeeze3A_379 : vector<256xf32> to vector<1x256xf32>
    %get3A_381 = arith.constant 13 : index
    %get3A_382 = arith.constant 0 : index
    %get3A_383 = arith.constant 0 : index
    %get3A_384 = vector.load %arg13[%get3A_381, %get3A_382, %get3A_383] : memref<20x64x256xf32, #tpu.memory_space<vmem>>, vector<1x64x256xf32>
    %get3A_385 = vector.shape_cast %get3A_384 : vector<1x64x256xf32> to vector<64x256xf32>
    %mul3A_386 = vector.broadcast %broadcast_in_dim3A_380 : vector<1x256xf32> to vector<64x256xf32>
    %mul3A_387 = arith.mulf %mul3A_386, %get3A_385 : vector<64x256xf32>
    %add3A_388 = arith.addf %add3A_366, %mul3A_387 : vector<64x256xf32>
    %slice3A_389 = vector.extract_strided_slice %div3A_89 {offsets = [13, 0], sizes = [1, 256], strides = [1, 1]} : vector<20x256xf32> to vector<1x256xf32>
    %squeeze3A_390 = vector.shape_cast %slice3A_389 : vector<1x256xf32> to vector<256xf32>
    %broadcast_in_dim3A_391 = vector.shape_cast %squeeze3A_390 : vector<256xf32> to vector<1x256xf32>
    %get3A_392 = arith.constant 13 : index
    %get3A_393 = arith.constant 0 : index
    %get3A_394 = arith.constant 0 : index
    %get3A_395 = vector.load %arg14[%get3A_392, %get3A_393, %get3A_394] : memref<20x64x256xf32, #tpu.memory_space<vmem>>, vector<1x64x256xf32>
    %get3A_396 = vector.shape_cast %get3A_395 : vector<1x64x256xf32> to vector<64x256xf32>
    %mul3A_397 = vector.broadcast %broadcast_in_dim3A_391 : vector<1x256xf32> to vector<64x256xf32>
    %mul3A_398 = arith.mulf %mul3A_397, %get3A_396 : vector<64x256xf32>
    %add3A_399 = arith.addf %add3A_377, %mul3A_398 : vector<64x256xf32>
    %slice3A_400 = vector.extract_strided_slice %div3A_75 {offsets = [14, 0], sizes = [1, 256], strides = [1, 1]} : vector<20x256xf32> to vector<1x256xf32>
    %squeeze3A_401 = vector.shape_cast %slice3A_400 : vector<1x256xf32> to vector<256xf32>
    %broadcast_in_dim3A_402 = vector.shape_cast %squeeze3A_401 : vector<256xf32> to vector<1x256xf32>
    %get3A_403 = arith.constant 14 : index
    %get3A_404 = arith.constant 0 : index
    %get3A_405 = arith.constant 0 : index
    %get3A_406 = vector.load %arg13[%get3A_403, %get3A_404, %get3A_405] : memref<20x64x256xf32, #tpu.memory_space<vmem>>, vector<1x64x256xf32>
    %get3A_407 = vector.shape_cast %get3A_406 : vector<1x64x256xf32> to vector<64x256xf32>
    %mul3A_408 = vector.broadcast %broadcast_in_dim3A_402 : vector<1x256xf32> to vector<64x256xf32>
    %mul3A_409 = arith.mulf %mul3A_408, %get3A_407 : vector<64x256xf32>
    %add3A_410 = arith.addf %add3A_388, %mul3A_409 : vector<64x256xf32>
    %slice3A_411 = vector.extract_strided_slice %div3A_89 {offsets = [14, 0], sizes = [1, 256], strides = [1, 1]} : vector<20x256xf32> to vector<1x256xf32>
    %squeeze3A_412 = vector.shape_cast %slice3A_411 : vector<1x256xf32> to vector<256xf32>
    %broadcast_in_dim3A_413 = vector.shape_cast %squeeze3A_412 : vector<256xf32> to vector<1x256xf32>
    %get3A_414 = arith.constant 14 : index
    %get3A_415 = arith.constant 0 : index
    %get3A_416 = arith.constant 0 : index
    %get3A_417 = vector.load %arg14[%get3A_414, %get3A_415, %get3A_416] : memref<20x64x256xf32, #tpu.memory_space<vmem>>, vector<1x64x256xf32>
    %get3A_418 = vector.shape_cast %get3A_417 : vector<1x64x256xf32> to vector<64x256xf32>
    %mul3A_419 = vector.broadcast %broadcast_in_dim3A_413 : vector<1x256xf32> to vector<64x256xf32>
    %mul3A_420 = arith.mulf %mul3A_419, %get3A_418 : vector<64x256xf32>
    %add3A_421 = arith.addf %add3A_399, %mul3A_420 : vector<64x256xf32>
    %slice3A_422 = vector.extract_strided_slice %div3A_75 {offsets = [15, 0], sizes = [1, 256], strides = [1, 1]} : vector<20x256xf32> to vector<1x256xf32>
    %squeeze3A_423 = vector.shape_cast %slice3A_422 : vector<1x256xf32> to vector<256xf32>
    %broadcast_in_dim3A_424 = vector.shape_cast %squeeze3A_423 : vector<256xf32> to vector<1x256xf32>
    %get3A_425 = arith.constant 15 : index
    %get3A_426 = arith.constant 0 : index
    %get3A_427 = arith.constant 0 : index
    %get3A_428 = vector.load %arg13[%get3A_425, %get3A_426, %get3A_427] : memref<20x64x256xf32, #tpu.memory_space<vmem>>, vector<1x64x256xf32>
    %get3A_429 = vector.shape_cast %get3A_428 : vector<1x64x256xf32> to vector<64x256xf32>
    %mul3A_430 = vector.broadcast %broadcast_in_dim3A_424 : vector<1x256xf32> to vector<64x256xf32>
    %mul3A_431 = arith.mulf %mul3A_430, %get3A_429 : vector<64x256xf32>
    %add3A_432 = arith.addf %add3A_410, %mul3A_431 : vector<64x256xf32>
    %slice3A_433 = vector.extract_strided_slice %div3A_89 {offsets = [15, 0], sizes = [1, 256], strides = [1, 1]} : vector<20x256xf32> to vector<1x256xf32>
    %squeeze3A_434 = vector.shape_cast %slice3A_433 : vector<1x256xf32> to vector<256xf32>
    %broadcast_in_dim3A_435 = vector.shape_cast %squeeze3A_434 : vector<256xf32> to vector<1x256xf32>
    %get3A_436 = arith.constant 15 : index
    %get3A_437 = arith.constant 0 : index
    %get3A_438 = arith.constant 0 : index
    %get3A_439 = vector.load %arg14[%get3A_436, %get3A_437, %get3A_438] : memref<20x64x256xf32, #tpu.memory_space<vmem>>, vector<1x64x256xf32>
    %get3A_440 = vector.shape_cast %get3A_439 : vector<1x64x256xf32> to vector<64x256xf32>
    %mul3A_441 = vector.broadcast %broadcast_in_dim3A_435 : vector<1x256xf32> to vector<64x256xf32>
    %mul3A_442 = arith.mulf %mul3A_441, %get3A_440 : vector<64x256xf32>
    %add3A_443 = arith.addf %add3A_421, %mul3A_442 : vector<64x256xf32>
    %slice3A_444 = vector.extract_strided_slice %div3A_75 {offsets = [16, 0], sizes = [1, 256], strides = [1, 1]} : vector<20x256xf32> to vector<1x256xf32>
    %squeeze3A_445 = vector.shape_cast %slice3A_444 : vector<1x256xf32> to vector<256xf32>
    %broadcast_in_dim3A_446 = vector.shape_cast %squeeze3A_445 : vector<256xf32> to vector<1x256xf32>
    %get3A_447 = arith.constant 16 : index
    %get3A_448 = arith.constant 0 : index
    %get3A_449 = arith.constant 0 : index
    %get3A_450 = vector.load %arg13[%get3A_447, %get3A_448, %get3A_449] : memref<20x64x256xf32, #tpu.memory_space<vmem>>, vector<1x64x256xf32>
    %get3A_451 = vector.shape_cast %get3A_450 : vector<1x64x256xf32> to vector<64x256xf32>
    %mul3A_452 = vector.broadcast %broadcast_in_dim3A_446 : vector<1x256xf32> to vector<64x256xf32>
    %mul3A_453 = arith.mulf %mul3A_452, %get3A_451 : vector<64x256xf32>
    %add3A_454 = arith.addf %add3A_432, %mul3A_453 : vector<64x256xf32>
    %slice3A_455 = vector.extract_strided_slice %div3A_89 {offsets = [16, 0], sizes = [1, 256], strides = [1, 1]} : vector<20x256xf32> to vector<1x256xf32>
    %squeeze3A_456 = vector.shape_cast %slice3A_455 : vector<1x256xf32> to vector<256xf32>
    %broadcast_in_dim3A_457 = vector.shape_cast %squeeze3A_456 : vector<256xf32> to vector<1x256xf32>
    %get3A_458 = arith.constant 16 : index
    %get3A_459 = arith.constant 0 : index
    %get3A_460 = arith.constant 0 : index
    %get3A_461 = vector.load %arg14[%get3A_458, %get3A_459, %get3A_460] : memref<20x64x256xf32, #tpu.memory_space<vmem>>, vector<1x64x256xf32>
    %get3A_462 = vector.shape_cast %get3A_461 : vector<1x64x256xf32> to vector<64x256xf32>
    %mul3A_463 = vector.broadcast %broadcast_in_dim3A_457 : vector<1x256xf32> to vector<64x256xf32>
    %mul3A_464 = arith.mulf %mul3A_463, %get3A_462 : vector<64x256xf32>
    %add3A_465 = arith.addf %add3A_443, %mul3A_464 : vector<64x256xf32>
    %slice3A_466 = vector.extract_strided_slice %div3A_75 {offsets = [17, 0], sizes = [1, 256], strides = [1, 1]} : vector<20x256xf32> to vector<1x256xf32>
    %squeeze3A_467 = vector.shape_cast %slice3A_466 : vector<1x256xf32> to vector<256xf32>
    %broadcast_in_dim3A_468 = vector.shape_cast %squeeze3A_467 : vector<256xf32> to vector<1x256xf32>
    %get3A_469 = arith.constant 17 : index
    %get3A_470 = arith.constant 0 : index
    %get3A_471 = arith.constant 0 : index
    %get3A_472 = vector.load %arg13[%get3A_469, %get3A_470, %get3A_471] : memref<20x64x256xf32, #tpu.memory_space<vmem>>, vector<1x64x256xf32>
    %get3A_473 = vector.shape_cast %get3A_472 : vector<1x64x256xf32> to vector<64x256xf32>
    %mul3A_474 = vector.broadcast %broadcast_in_dim3A_468 : vector<1x256xf32> to vector<64x256xf32>
    %mul3A_475 = arith.mulf %mul3A_474, %get3A_473 : vector<64x256xf32>
    %add3A_476 = arith.addf %add3A_454, %mul3A_475 : vector<64x256xf32>
    %slice3A_477 = vector.extract_strided_slice %div3A_89 {offsets = [17, 0], sizes = [1, 256], strides = [1, 1]} : vector<20x256xf32> to vector<1x256xf32>
    %squeeze3A_478 = vector.shape_cast %slice3A_477 : vector<1x256xf32> to vector<256xf32>
    %broadcast_in_dim3A_479 = vector.shape_cast %squeeze3A_478 : vector<256xf32> to vector<1x256xf32>
    %get3A_480 = arith.constant 17 : index
    %get3A_481 = arith.constant 0 : index
    %get3A_482 = arith.constant 0 : index
    %get3A_483 = vector.load %arg14[%get3A_480, %get3A_481, %get3A_482] : memref<20x64x256xf32, #tpu.memory_space<vmem>>, vector<1x64x256xf32>
    %get3A_484 = vector.shape_cast %get3A_483 : vector<1x64x256xf32> to vector<64x256xf32>
    %mul3A_485 = vector.broadcast %broadcast_in_dim3A_479 : vector<1x256xf32> to vector<64x256xf32>
    %mul3A_486 = arith.mulf %mul3A_485, %get3A_484 : vector<64x256xf32>
    %add3A_487 = arith.addf %add3A_465, %mul3A_486 : vector<64x256xf32>
    %slice3A_488 = vector.extract_strided_slice %div3A_75 {offsets = [18, 0], sizes = [1, 256], strides = [1, 1]} : vector<20x256xf32> to vector<1x256xf32>
    %squeeze3A_489 = vector.shape_cast %slice3A_488 : vector<1x256xf32> to vector<256xf32>
    %broadcast_in_dim3A_490 = vector.shape_cast %squeeze3A_489 : vector<256xf32> to vector<1x256xf32>
    %get3A_491 = arith.constant 18 : index
    %get3A_492 = arith.constant 0 : index
    %get3A_493 = arith.constant 0 : index
    %get3A_494 = vector.load %arg13[%get3A_491, %get3A_492, %get3A_493] : memref<20x64x256xf32, #tpu.memory_space<vmem>>, vector<1x64x256xf32>
    %get3A_495 = vector.shape_cast %get3A_494 : vector<1x64x256xf32> to vector<64x256xf32>
    %mul3A_496 = vector.broadcast %broadcast_in_dim3A_490 : vector<1x256xf32> to vector<64x256xf32>
    %mul3A_497 = arith.mulf %mul3A_496, %get3A_495 : vector<64x256xf32>
    %add3A_498 = arith.addf %add3A_476, %mul3A_497 : vector<64x256xf32>
    %slice3A_499 = vector.extract_strided_slice %div3A_89 {offsets = [18, 0], sizes = [1, 256], strides = [1, 1]} : vector<20x256xf32> to vector<1x256xf32>
    %squeeze3A_500 = vector.shape_cast %slice3A_499 : vector<1x256xf32> to vector<256xf32>
    %broadcast_in_dim3A_501 = vector.shape_cast %squeeze3A_500 : vector<256xf32> to vector<1x256xf32>
    %get3A_502 = arith.constant 18 : index
    %get3A_503 = arith.constant 0 : index
    %get3A_504 = arith.constant 0 : index
    %get3A_505 = vector.load %arg14[%get3A_502, %get3A_503, %get3A_504] : memref<20x64x256xf32, #tpu.memory_space<vmem>>, vector<1x64x256xf32>
    %get3A_506 = vector.shape_cast %get3A_505 : vector<1x64x256xf32> to vector<64x256xf32>
    %mul3A_507 = vector.broadcast %broadcast_in_dim3A_501 : vector<1x256xf32> to vector<64x256xf32>
    %mul3A_508 = arith.mulf %mul3A_507, %get3A_506 : vector<64x256xf32>
    %add3A_509 = arith.addf %add3A_487, %mul3A_508 : vector<64x256xf32>
    %slice3A_510 = vector.extract_strided_slice %div3A_75 {offsets = [19, 0], sizes = [1, 256], strides = [1, 1]} : vector<20x256xf32> to vector<1x256xf32>
    %squeeze3A_511 = vector.shape_cast %slice3A_510 : vector<1x256xf32> to vector<256xf32>
    %broadcast_in_dim3A_512 = vector.shape_cast %squeeze3A_511 : vector<256xf32> to vector<1x256xf32>
    %get3A_513 = arith.constant 19 : index
    %get3A_514 = arith.constant 0 : index
    %get3A_515 = arith.constant 0 : index
    %get3A_516 = vector.load %arg13[%get3A_513, %get3A_514, %get3A_515] : memref<20x64x256xf32, #tpu.memory_space<vmem>>, vector<1x64x256xf32>
    %get3A_517 = vector.shape_cast %get3A_516 : vector<1x64x256xf32> to vector<64x256xf32>
    %mul3A_518 = vector.broadcast %broadcast_in_dim3A_512 : vector<1x256xf32> to vector<64x256xf32>
    %mul3A_519 = arith.mulf %mul3A_518, %get3A_517 : vector<64x256xf32>
    %add3A_520 = arith.addf %add3A_498, %mul3A_519 : vector<64x256xf32>
    %slice3A_521 = vector.extract_strided_slice %div3A_89 {offsets = [19, 0], sizes = [1, 256], strides = [1, 1]} : vector<20x256xf32> to vector<1x256xf32>
    %squeeze3A_522 = vector.shape_cast %slice3A_521 : vector<1x256xf32> to vector<256xf32>
    %broadcast_in_dim3A_523 = vector.shape_cast %squeeze3A_522 : vector<256xf32> to vector<1x256xf32>
    %get3A_524 = arith.constant 19 : index
    %get3A_525 = arith.constant 0 : index
    %get3A_526 = arith.constant 0 : index
    %get3A_527 = vector.load %arg14[%get3A_524, %get3A_525, %get3A_526] : memref<20x64x256xf32, #tpu.memory_space<vmem>>, vector<1x64x256xf32>
    %get3A_528 = vector.shape_cast %get3A_527 : vector<1x64x256xf32> to vector<64x256xf32>
    %mul3A_529 = vector.broadcast %broadcast_in_dim3A_523 : vector<1x256xf32> to vector<64x256xf32>
    %mul3A_530 = arith.mulf %mul3A_529, %get3A_528 : vector<64x256xf32>
    %add3A_531 = arith.addf %add3A_509, %mul3A_530 : vector<64x256xf32>
    %swap3A_532 = arith.constant 0 : index
    %swap3A_533 = arith.constant 0 : index
    %swap3A_534 = vector.load %arg10[%swap3A_532, %swap3A_533] : memref<64x256xf32, #tpu.memory_space<vmem>>, vector<64x256xf32>
    tpu.vector_store %arg10[%swap3A_532, %swap3A_533], %add3A_520 {strides = array<i32>} : memref<64x256xf32, #tpu.memory_space<vmem>>, vector<64x256xf32>,
    %swap3A_535 = arith.constant 0 : index
    %swap3A_536 = arith.constant 0 : index
    %swap3A_537 = vector.load %arg11[%swap3A_535, %swap3A_536] : memref<64x256xf32, #tpu.memory_space<vmem>>, vector<64x256xf32>
    tpu.vector_store %arg11[%swap3A_535, %swap3A_536], %add3A_531 {strides = array<i32>} : memref<64x256xf32, #tpu.memory_space<vmem>>, vector<64x256xf32>,
    return
  }
  func.func @transform_0(%arg0: i32) -> (i32, i32) {
    %c0_i32 = arith.constant 0 : i32
    %c0_i32_0 = arith.constant 0 : i32
    %c0_i32_1 = arith.constant 0 : i32
    return %c0_i32, %c0_i32_0 : i32, i32
  }
  func.func @transform_1(%arg0: i32) -> (i32, i32) {
    %c0_i32 = arith.constant 0 : i32
    %c0_i32_0 = arith.constant 0 : i32
    %c0_i32_1 = arith.constant 0 : i32
    return %c0_i32, %c0_i32_0 : i32, i32
  }
  func.func @transform_2(%arg0: i32) -> (i32, i32) {
    %c0_i32 = arith.constant 0 : i32
    %c0_i32_0 = arith.constant 0 : i32
    %c0_i32_1 = arith.constant 0 : i32
    return %c0_i32, %c0_i32_0 : i32, i32
  }
  func.func @transform_3(%arg0: i32) -> (i32, i32) {
    %c0_i32 = arith.constant 0 : i32
    %c0_i32_0 = arith.constant 0 : i32
    %c0_i32_1 = arith.constant 0 : i32
    return %c0_i32, %c0_i32_0 : i32, i32
  }
  func.func @transform_4(%arg0: i32) -> (i32, i32) {
    %c0_i32 = arith.constant 0 : i32
    %c0_i32_0 = arith.constant 0 : i32
    %c0_i32_1 = arith.constant 0 : i32
    return %c0_i32, %c0_i32_0 : i32, i32
  }
  func.func @transform_5(%arg0: i32) -> (i32, i32) {
    %c0_i32 = arith.constant 0 : i32
    %c0_i32_0 = arith.constant 0 : i32
    return %arg0, %c0_i32 : i32, i32
  }
  func.func @transform_6(%arg0: i32) -> (i32, i32) {
    %c0_i32 = arith.constant 0 : i32
    %c0_i32_0 = arith.constant 0 : i32
    return %arg0, %c0_i32 : i32, i32
  }
  func.func @transform_7(%arg0: i32) -> (i32, i32, i32) {
    %c0_i32 = arith.constant 0 : i32
    %c0_i32_0 = arith.constant 0 : i32
    %c0_i32_1 = arith.constant 0 : i32
    return %arg0, %c0_i32, %c0_i32_0 : i32, i32, i32
  }
  func.func @transform_8(%arg0: i32) -> (i32, i32, i32) {
    %c0_i32 = arith.constant 0 : i32
    %c0_i32_0 = arith.constant 0 : i32
    %c0_i32_1 = arith.constant 0 : i32
    return %arg0, %c0_i32, %c0_i32_0 : i32, i32, i32
  }
  func.func @transform_9(%arg0: i32) -> (i32, i32) {
    %c0_i32 = arith.constant 0 : i32
    %c0_i32_0 = arith.constant 0 : i32
    return %c0_i32, %arg0 : i32, i32
  }
  func.func @transform_10(%arg0: i32) -> (i32, i32) {
    %c0_i32 = arith.constant 0 : i32
    %c0_i32_0 = arith.constant 0 : i32
    return %c0_i32, %arg0 : i32, i32
  }
}

module attributes {stable_mosaic.version = 14 : i64} {
  func.func @_merge_body(%arg0: i32, %arg1: memref<4096xi32, #tpu.memory_space<smem>>, %arg2: memref<4096xi32, #tpu.memory_space<smem>>, %arg3: memref<41xi32, #tpu.memory_space<smem>>, %arg4: memref<64x25600xf32, #tpu.memory_space<vmem>>, %arg5: memref<64x4096xf32, #tpu.memory_space<vmem>>, %arg6: memref<64x25600xf32, #tpu.memory_space<vmem>>) attributes {dimension_semantics = [#tpu.dimension_semantics<arbitrary>], iteration_bounds = array<i64: 40>, scalar_prefetch = 0 : i64, scratch_operands = 0 : i64, tpu.core_type = #tpu.core_type<tc>, window_params = [{transform_indices = @transform_0, window_bounds = array<i64: 4096>}, {transform_indices = @transform_1, window_bounds = array<i64: 4096>}, {transform_indices = @transform_2, window_bounds = array<i64: 41>}, {transform_indices = @transform_3, window_bounds = array<i64: 64, 25600>}, {pipeline_mode = #tpu.pipeline_mode<synchronous>, transform_indices = @transform_4, window_bounds = array<i64: 64, 4096>}, {transform_indices = @transform_5, window_bounds = array<i64: 64, 25600>}]} {
    %get3A = arith.constant 0 : index
    %get3A_0 = arith.constant 0 : index
    %get3A_1 = vector.load %arg4[%get3A, %get3A_0] : memref<64x25600xf32, #tpu.memory_space<vmem>>, vector<64x25600xf32>
    %swap3A = arith.constant 0 : index
    %swap3A_2 = arith.constant 0 : index
    %swap3A_3 = vector.load %arg6[%swap3A, %swap3A_2] : memref<64x25600xf32, #tpu.memory_space<vmem>>, vector<64x25600xf32>
    tpu.vector_store %arg6[%swap3A, %swap3A_2], %get3A_1 {strides = array<i32>} : memref<64x25600xf32, #tpu.memory_space<vmem>>, vector<64x25600xf32>,
    %mul3A = arith.constant 25600 : i32
    %mul3A_4 = arith.muli %arg0, %mul3A : i32
    %iota3A = tpu.iota {dimensions = array<i32: 1>} : vector<1x128xi32>
    %get3A_5 = arith.index_cast %arg0 : i32 to index
    %get3A_6 = memref.load %arg3[%get3A_5] : memref<41xi32, #tpu.memory_space<smem>>
    %add3A = arith.constant 1 : i32
    %add3A_7 = arith.addi %arg0, %add3A : i32
    %get3A_8 = arith.index_cast %add3A_7 : i32 to index
    %get3A_9 = memref.load %arg3[%get3A_8] : memref<41xi32, #tpu.memory_space<smem>>
    %while3A = arith.constant 0 : i32
    %while3A_10 = arith.subi %get3A_9, %get3A_6 : i32
    %while3A_11 = arith.addi %get3A_6, %while3A_10 : i32
    %while3A_12 = arith.constant 1 : i32
    %while3A_13 = arith.divsi %while3A_10, %while3A_12 : i32
    %while3A_14 = arith.muli %while3A_13, %while3A_12 : i32
    %while3A_15 = arith.addi %get3A_6, %while3A_14 : i32
    %while3A_16 = arith.constant 1 : i32
    %while3A_17 = scf.for %while3A_20 = %get3A_6 to %while3A_15 step %while3A_16 iter_args(%while3A_21 = %while3A) -> (i32)  : i32 {
      %get3A_22 = arith.index_cast %while3A_20 : i32 to index
      %get3A_23 = memref.load %arg1[%get3A_22] : memref<4096xi32, #tpu.memory_space<smem>>
      %sub3A = arith.subi %get3A_23, %mul3A_4 : i32
      %shift_right_arithmetic3A = arith.constant 7 : i32
      %shift_right_arithmetic3A_24 = arith.shrsi %sub3A, %shift_right_arithmetic3A : i32
      %shift_left3A = arith.constant 7 : i32
      %shift_left3A_25 = arith.shli %shift_right_arithmetic3A_24, %shift_left3A : i32
      %multiple_of3A = tpu.assume_multiple %shift_left3A_25, 128 : i32
      %and3A = arith.constant 127 : i32
      %and3A_26 = arith.andi %sub3A, %and3A : i32
      %get3A_27 = arith.index_cast %while3A_20 : i32 to index
      %get3A_28 = memref.load %arg2[%get3A_27] : memref<4096xi32, #tpu.memory_space<smem>>
      %shift_right_arithmetic3A_29 = arith.constant 7 : i32
      %shift_right_arithmetic3A_30 = arith.shrsi %get3A_28, %shift_right_arithmetic3A_29 : i32
      %shift_left3A_31 = arith.constant 7 : i32
      %shift_left3A_32 = arith.shli %shift_right_arithmetic3A_30, %shift_left3A_31 : i32
      %multiple_of3A_33 = tpu.assume_multiple %shift_left3A_32, 128 : i32
      %and3A_34 = arith.constant 127 : i32
      %and3A_35 = arith.andi %get3A_28, %and3A_34 : i32
      %get3A_36 = arith.constant 0 : index
      %get3A_37 = arith.index_cast %multiple_of3A_33 : i32 to index
      %get3A_38 = vector.load %arg5[%get3A_36, %get3A_37] : memref<64x4096xf32, #tpu.memory_space<vmem>>, vector<64x128xf32>
      %eq3A = vector.broadcast %and3A_35 : i32 to vector<1x128xi32>
      %eq3A_39 = arith.cmpi eq, %iota3A, %eq3A : vector<1x128xi32>
      %jit3A = arith.constant 0.000000e+00 : f32
      %broadcast_in_dim3A = vector.shape_cast %eq3A_39 : vector<1x128xi1> to vector<1x128xi1>
      %broadcast_in_dim3A_40 = vector.broadcast %broadcast_in_dim3A : vector<1x128xi1> to vector<64x128xi1>
      %broadcast_in_dim3A_41 = vector.broadcast %jit3A : f32 to vector<64x128xf32>
      %select_n3A = arith.select %broadcast_in_dim3A_40, %get3A_38, %broadcast_in_dim3A_41 : vector<64x128xi1>, vector<64x128xf32>
      %reduce_sum3A = arith.constant dense<0.000000e+00> : vector<64xf32>
      %reduce_sum3A_42 = vector.multi_reduction <add>, %select_n3A, %reduce_sum3A [1] : vector<64x128xf32> to vector<64xf32>
      %broadcast_in_dim3A_43 = vector.shape_cast %reduce_sum3A_42 : vector<64xf32> to vector<64x1xf32>
      %get3A_44 = arith.constant 0 : index
      %get3A_45 = arith.index_cast %multiple_of3A : i32 to index
      %get3A_46 = vector.load %arg6[%get3A_44, %get3A_45] : memref<64x25600xf32, #tpu.memory_space<vmem>>, vector<64x128xf32>
      %eq3A_47 = vector.broadcast %and3A_26 : i32 to vector<1x128xi32>
      %eq3A_48 = arith.cmpi eq, %iota3A, %eq3A_47 : vector<1x128xi32>
      %broadcast_in_dim3A_49 = vector.shape_cast %eq3A_48 : vector<1x128xi1> to vector<1x128xi1>
      %broadcast_in_dim3A_50 = vector.broadcast %broadcast_in_dim3A_49 : vector<1x128xi1> to vector<64x128xi1>
      %broadcast_in_dim3A_51 = vector.shape_cast %broadcast_in_dim3A_43 : vector<64x1xf32> to vector<64x1xf32>
      %broadcast_in_dim3A_52 = vector.broadcast %broadcast_in_dim3A_51 : vector<64x1xf32> to vector<64x128xf32>
      %select_n3A_53 = arith.select %broadcast_in_dim3A_50, %broadcast_in_dim3A_52, %get3A_46 : vector<64x128xi1>, vector<64x128xf32>
      %swap3A_54 = arith.constant 0 : index
      %swap3A_55 = arith.index_cast %multiple_of3A : i32 to index
      %swap3A_56 = vector.load %arg6[%swap3A_54, %swap3A_55] : memref<64x25600xf32, #tpu.memory_space<vmem>>, vector<64x128xf32>
      tpu.vector_store %arg6[%swap3A_54, %swap3A_55], %select_n3A_53 {strides = array<i32>} : memref<64x25600xf32, #tpu.memory_space<vmem>>, vector<64x128xf32>,
      %while3A_57 = arith.constant 0 : i32
      scf.yield %while3A_57 : i32
    }
    %while3A_18 = arith.constant 1 : i32
    %while3A_19 = scf.for %while3A_20 = %while3A_15 to %while3A_11 step %while3A_18 iter_args(%while3A_21 = %while3A_17) -> (i32)  : i32 {
      %get3A_22 = arith.index_cast %while3A_20 : i32 to index
      %get3A_23 = memref.load %arg1[%get3A_22] : memref<4096xi32, #tpu.memory_space<smem>>
      %sub3A = arith.subi %get3A_23, %mul3A_4 : i32
      %shift_right_arithmetic3A = arith.constant 7 : i32
      %shift_right_arithmetic3A_24 = arith.shrsi %sub3A, %shift_right_arithmetic3A : i32
      %shift_left3A = arith.constant 7 : i32
      %shift_left3A_25 = arith.shli %shift_right_arithmetic3A_24, %shift_left3A : i32
      %multiple_of3A = tpu.assume_multiple %shift_left3A_25, 128 : i32
      %and3A = arith.constant 127 : i32
      %and3A_26 = arith.andi %sub3A, %and3A : i32
      %get3A_27 = arith.index_cast %while3A_20 : i32 to index
      %get3A_28 = memref.load %arg2[%get3A_27] : memref<4096xi32, #tpu.memory_space<smem>>
      %shift_right_arithmetic3A_29 = arith.constant 7 : i32
      %shift_right_arithmetic3A_30 = arith.shrsi %get3A_28, %shift_right_arithmetic3A_29 : i32
      %shift_left3A_31 = arith.constant 7 : i32
      %shift_left3A_32 = arith.shli %shift_right_arithmetic3A_30, %shift_left3A_31 : i32
      %multiple_of3A_33 = tpu.assume_multiple %shift_left3A_32, 128 : i32
      %and3A_34 = arith.constant 127 : i32
      %and3A_35 = arith.andi %get3A_28, %and3A_34 : i32
      %get3A_36 = arith.constant 0 : index
      %get3A_37 = arith.index_cast %multiple_of3A_33 : i32 to index
      %get3A_38 = vector.load %arg5[%get3A_36, %get3A_37] : memref<64x4096xf32, #tpu.memory_space<vmem>>, vector<64x128xf32>
      %eq3A = vector.broadcast %and3A_35 : i32 to vector<1x128xi32>
      %eq3A_39 = arith.cmpi eq, %iota3A, %eq3A : vector<1x128xi32>
      %jit3A = arith.constant 0.000000e+00 : f32
      %broadcast_in_dim3A = vector.shape_cast %eq3A_39 : vector<1x128xi1> to vector<1x128xi1>
      %broadcast_in_dim3A_40 = vector.broadcast %broadcast_in_dim3A : vector<1x128xi1> to vector<64x128xi1>
      %broadcast_in_dim3A_41 = vector.broadcast %jit3A : f32 to vector<64x128xf32>
      %select_n3A = arith.select %broadcast_in_dim3A_40, %get3A_38, %broadcast_in_dim3A_41 : vector<64x128xi1>, vector<64x128xf32>
      %reduce_sum3A = arith.constant dense<0.000000e+00> : vector<64xf32>
      %reduce_sum3A_42 = vector.multi_reduction <add>, %select_n3A, %reduce_sum3A [1] : vector<64x128xf32> to vector<64xf32>
      %broadcast_in_dim3A_43 = vector.shape_cast %reduce_sum3A_42 : vector<64xf32> to vector<64x1xf32>
      %get3A_44 = arith.constant 0 : index
      %get3A_45 = arith.index_cast %multiple_of3A : i32 to index
      %get3A_46 = vector.load %arg6[%get3A_44, %get3A_45] : memref<64x25600xf32, #tpu.memory_space<vmem>>, vector<64x128xf32>
      %eq3A_47 = vector.broadcast %and3A_26 : i32 to vector<1x128xi32>
      %eq3A_48 = arith.cmpi eq, %iota3A, %eq3A_47 : vector<1x128xi32>
      %broadcast_in_dim3A_49 = vector.shape_cast %eq3A_48 : vector<1x128xi1> to vector<1x128xi1>
      %broadcast_in_dim3A_50 = vector.broadcast %broadcast_in_dim3A_49 : vector<1x128xi1> to vector<64x128xi1>
      %broadcast_in_dim3A_51 = vector.shape_cast %broadcast_in_dim3A_43 : vector<64x1xf32> to vector<64x1xf32>
      %broadcast_in_dim3A_52 = vector.broadcast %broadcast_in_dim3A_51 : vector<64x1xf32> to vector<64x128xf32>
      %select_n3A_53 = arith.select %broadcast_in_dim3A_50, %broadcast_in_dim3A_52, %get3A_46 : vector<64x128xi1>, vector<64x128xf32>
      %swap3A_54 = arith.constant 0 : index
      %swap3A_55 = arith.index_cast %multiple_of3A : i32 to index
      %swap3A_56 = vector.load %arg6[%swap3A_54, %swap3A_55] : memref<64x25600xf32, #tpu.memory_space<vmem>>, vector<64x128xf32>
      tpu.vector_store %arg6[%swap3A_54, %swap3A_55], %select_n3A_53 {strides = array<i32>} : memref<64x25600xf32, #tpu.memory_space<vmem>>, vector<64x128xf32>,
      %while3A_57 = arith.constant 0 : i32
      scf.yield %while3A_57 : i32
    }
    return
  }
  func.func @transform_0(%arg0: i32) -> i32 {
    %c0_i32 = arith.constant 0 : i32
    %c0_i32_0 = arith.constant 0 : i32
    return %c0_i32 : i32
  }
  func.func @transform_1(%arg0: i32) -> i32 {
    %c0_i32 = arith.constant 0 : i32
    %c0_i32_0 = arith.constant 0 : i32
    return %c0_i32 : i32
  }
  func.func @transform_2(%arg0: i32) -> i32 {
    %c0_i32 = arith.constant 0 : i32
    %c0_i32_0 = arith.constant 0 : i32
    return %c0_i32 : i32
  }
  func.func @transform_3(%arg0: i32) -> (i32, i32) {
    %c0_i32 = arith.constant 0 : i32
    %c0_i32_0 = arith.constant 0 : i32
    return %c0_i32, %arg0 : i32, i32
  }
  func.func @transform_4(%arg0: i32) -> (i32, i32) {
    %c0_i32 = arith.constant 0 : i32
    %c0_i32_0 = arith.constant 0 : i32
    %c0_i32_1 = arith.constant 0 : i32
    return %c0_i32, %c0_i32_0 : i32, i32
  }
  func.func @transform_5(%arg0: i32) -> (i32, i32) {
    %c0_i32 = arith.constant 0 : i32
    %c0_i32_0 = arith.constant 0 : i32
    return %c0_i32, %arg0 : i32, i32
  }
}

module attributes {stable_mosaic.version = 14 : i64} {
  func.func @_merge_body(%arg0: i32, %arg1: memref<4096xi32, #tpu.memory_space<smem>>, %arg2: memref<4096xi32, #tpu.memory_space<smem>>, %arg3: memref<41xi32, #tpu.memory_space<smem>>, %arg4: memref<64x25600xf32, #tpu.memory_space<vmem>>, %arg5: memref<64x4096xf32, #tpu.memory_space<vmem>>, %arg6: memref<64x25600xf32, #tpu.memory_space<vmem>>) attributes {dimension_semantics = [#tpu.dimension_semantics<arbitrary>], iteration_bounds = array<i64: 40>, scalar_prefetch = 0 : i64, scratch_operands = 0 : i64, tpu.core_type = #tpu.core_type<tc>, window_params = [{transform_indices = @transform_0, window_bounds = array<i64: 4096>}, {transform_indices = @transform_1, window_bounds = array<i64: 4096>}, {transform_indices = @transform_2, window_bounds = array<i64: 41>}, {transform_indices = @transform_3, window_bounds = array<i64: 64, 25600>}, {pipeline_mode = #tpu.pipeline_mode<synchronous>, transform_indices = @transform_4, window_bounds = array<i64: 64, 4096>}, {transform_indices = @transform_5, window_bounds = array<i64: 64, 25600>}]} {
    %get3A = arith.constant 0 : index
    %get3A_0 = arith.constant 0 : index
    %get3A_1 = vector.load %arg4[%get3A, %get3A_0] : memref<64x25600xf32, #tpu.memory_space<vmem>>, vector<64x25600xf32>
    %swap3A = arith.constant 0 : index
    %swap3A_2 = arith.constant 0 : index
    %swap3A_3 = vector.load %arg6[%swap3A, %swap3A_2] : memref<64x25600xf32, #tpu.memory_space<vmem>>, vector<64x25600xf32>
    tpu.vector_store %arg6[%swap3A, %swap3A_2], %get3A_1 {strides = array<i32>} : memref<64x25600xf32, #tpu.memory_space<vmem>>, vector<64x25600xf32>,
    %mul3A = arith.constant 25600 : i32
    %mul3A_4 = arith.muli %arg0, %mul3A : i32
    %iota3A = tpu.iota {dimensions = array<i32: 1>} : vector<1x128xi32>
    %get3A_5 = arith.index_cast %arg0 : i32 to index
    %get3A_6 = memref.load %arg3[%get3A_5] : memref<41xi32, #tpu.memory_space<smem>>
    %add3A = arith.constant 1 : i32
    %add3A_7 = arith.addi %arg0, %add3A : i32
    %get3A_8 = arith.index_cast %add3A_7 : i32 to index
    %get3A_9 = memref.load %arg3[%get3A_8] : memref<41xi32, #tpu.memory_space<smem>>
    %while3A = arith.constant 0 : i32
    %while3A_10 = arith.subi %get3A_9, %get3A_6 : i32
    %while3A_11 = arith.addi %get3A_6, %while3A_10 : i32
    %while3A_12 = arith.constant 1 : i32
    %while3A_13 = arith.divsi %while3A_10, %while3A_12 : i32
    %while3A_14 = arith.muli %while3A_13, %while3A_12 : i32
    %while3A_15 = arith.addi %get3A_6, %while3A_14 : i32
    %while3A_16 = arith.constant 1 : i32
    %while3A_17 = scf.for %while3A_20 = %get3A_6 to %while3A_15 step %while3A_16 iter_args(%while3A_21 = %while3A) -> (i32)  : i32 {
      %get3A_22 = arith.index_cast %while3A_20 : i32 to index
      %get3A_23 = memref.load %arg1[%get3A_22] : memref<4096xi32, #tpu.memory_space<smem>>
      %sub3A = arith.subi %get3A_23, %mul3A_4 : i32
      %shift_right_arithmetic3A = arith.constant 7 : i32
      %shift_right_arithmetic3A_24 = arith.shrsi %sub3A, %shift_right_arithmetic3A : i32
      %shift_left3A = arith.constant 7 : i32
      %shift_left3A_25 = arith.shli %shift_right_arithmetic3A_24, %shift_left3A : i32
      %multiple_of3A = tpu.assume_multiple %shift_left3A_25, 128 : i32
      %and3A = arith.constant 127 : i32
      %and3A_26 = arith.andi %sub3A, %and3A : i32
      %get3A_27 = arith.index_cast %while3A_20 : i32 to index
      %get3A_28 = memref.load %arg2[%get3A_27] : memref<4096xi32, #tpu.memory_space<smem>>
      %shift_right_arithmetic3A_29 = arith.constant 7 : i32
      %shift_right_arithmetic3A_30 = arith.shrsi %get3A_28, %shift_right_arithmetic3A_29 : i32
      %shift_left3A_31 = arith.constant 7 : i32
      %shift_left3A_32 = arith.shli %shift_right_arithmetic3A_30, %shift_left3A_31 : i32
      %multiple_of3A_33 = tpu.assume_multiple %shift_left3A_32, 128 : i32
      %and3A_34 = arith.constant 127 : i32
      %and3A_35 = arith.andi %get3A_28, %and3A_34 : i32
      %get3A_36 = arith.constant 0 : index
      %get3A_37 = arith.index_cast %multiple_of3A_33 : i32 to index
      %get3A_38 = vector.load %arg5[%get3A_36, %get3A_37] : memref<64x4096xf32, #tpu.memory_space<vmem>>, vector<64x128xf32>
      %eq3A = vector.broadcast %and3A_35 : i32 to vector<1x128xi32>
      %eq3A_39 = arith.cmpi eq, %iota3A, %eq3A : vector<1x128xi32>
      %jit3A = arith.constant 0.000000e+00 : f32
      %broadcast_in_dim3A = vector.shape_cast %eq3A_39 : vector<1x128xi1> to vector<1x128xi1>
      %broadcast_in_dim3A_40 = vector.broadcast %broadcast_in_dim3A : vector<1x128xi1> to vector<64x128xi1>
      %broadcast_in_dim3A_41 = vector.broadcast %jit3A : f32 to vector<64x128xf32>
      %select_n3A = arith.select %broadcast_in_dim3A_40, %get3A_38, %broadcast_in_dim3A_41 : vector<64x128xi1>, vector<64x128xf32>
      %reduce_sum3A = arith.constant dense<0.000000e+00> : vector<64xf32>
      %reduce_sum3A_42 = vector.multi_reduction <add>, %select_n3A, %reduce_sum3A [1] : vector<64x128xf32> to vector<64xf32>
      %broadcast_in_dim3A_43 = vector.shape_cast %reduce_sum3A_42 : vector<64xf32> to vector<64x1xf32>
      %get3A_44 = arith.constant 0 : index
      %get3A_45 = arith.index_cast %multiple_of3A : i32 to index
      %get3A_46 = vector.load %arg6[%get3A_44, %get3A_45] : memref<64x25600xf32, #tpu.memory_space<vmem>>, vector<64x128xf32>
      %eq3A_47 = vector.broadcast %and3A_26 : i32 to vector<1x128xi32>
      %eq3A_48 = arith.cmpi eq, %iota3A, %eq3A_47 : vector<1x128xi32>
      %broadcast_in_dim3A_49 = vector.shape_cast %eq3A_48 : vector<1x128xi1> to vector<1x128xi1>
      %broadcast_in_dim3A_50 = vector.broadcast %broadcast_in_dim3A_49 : vector<1x128xi1> to vector<64x128xi1>
      %broadcast_in_dim3A_51 = vector.shape_cast %broadcast_in_dim3A_43 : vector<64x1xf32> to vector<64x1xf32>
      %broadcast_in_dim3A_52 = vector.broadcast %broadcast_in_dim3A_51 : vector<64x1xf32> to vector<64x128xf32>
      %select_n3A_53 = arith.select %broadcast_in_dim3A_50, %broadcast_in_dim3A_52, %get3A_46 : vector<64x128xi1>, vector<64x128xf32>
      %swap3A_54 = arith.constant 0 : index
      %swap3A_55 = arith.index_cast %multiple_of3A : i32 to index
      %swap3A_56 = vector.load %arg6[%swap3A_54, %swap3A_55] : memref<64x25600xf32, #tpu.memory_space<vmem>>, vector<64x128xf32>
      tpu.vector_store %arg6[%swap3A_54, %swap3A_55], %select_n3A_53 {strides = array<i32>} : memref<64x25600xf32, #tpu.memory_space<vmem>>, vector<64x128xf32>,
      %while3A_57 = arith.constant 0 : i32
      scf.yield %while3A_57 : i32
    }
    %while3A_18 = arith.constant 1 : i32
    %while3A_19 = scf.for %while3A_20 = %while3A_15 to %while3A_11 step %while3A_18 iter_args(%while3A_21 = %while3A_17) -> (i32)  : i32 {
      %get3A_22 = arith.index_cast %while3A_20 : i32 to index
      %get3A_23 = memref.load %arg1[%get3A_22] : memref<4096xi32, #tpu.memory_space<smem>>
      %sub3A = arith.subi %get3A_23, %mul3A_4 : i32
      %shift_right_arithmetic3A = arith.constant 7 : i32
      %shift_right_arithmetic3A_24 = arith.shrsi %sub3A, %shift_right_arithmetic3A : i32
      %shift_left3A = arith.constant 7 : i32
      %shift_left3A_25 = arith.shli %shift_right_arithmetic3A_24, %shift_left3A : i32
      %multiple_of3A = tpu.assume_multiple %shift_left3A_25, 128 : i32
      %and3A = arith.constant 127 : i32
      %and3A_26 = arith.andi %sub3A, %and3A : i32
      %get3A_27 = arith.index_cast %while3A_20 : i32 to index
      %get3A_28 = memref.load %arg2[%get3A_27] : memref<4096xi32, #tpu.memory_space<smem>>
      %shift_right_arithmetic3A_29 = arith.constant 7 : i32
      %shift_right_arithmetic3A_30 = arith.shrsi %get3A_28, %shift_right_arithmetic3A_29 : i32
      %shift_left3A_31 = arith.constant 7 : i32
      %shift_left3A_32 = arith.shli %shift_right_arithmetic3A_30, %shift_left3A_31 : i32
      %multiple_of3A_33 = tpu.assume_multiple %shift_left3A_32, 128 : i32
      %and3A_34 = arith.constant 127 : i32
      %and3A_35 = arith.andi %get3A_28, %and3A_34 : i32
      %get3A_36 = arith.constant 0 : index
      %get3A_37 = arith.index_cast %multiple_of3A_33 : i32 to index
      %get3A_38 = vector.load %arg5[%get3A_36, %get3A_37] : memref<64x4096xf32, #tpu.memory_space<vmem>>, vector<64x128xf32>
      %eq3A = vector.broadcast %and3A_35 : i32 to vector<1x128xi32>
      %eq3A_39 = arith.cmpi eq, %iota3A, %eq3A : vector<1x128xi32>
      %jit3A = arith.constant 0.000000e+00 : f32
      %broadcast_in_dim3A = vector.shape_cast %eq3A_39 : vector<1x128xi1> to vector<1x128xi1>
      %broadcast_in_dim3A_40 = vector.broadcast %broadcast_in_dim3A : vector<1x128xi1> to vector<64x128xi1>
      %broadcast_in_dim3A_41 = vector.broadcast %jit3A : f32 to vector<64x128xf32>
      %select_n3A = arith.select %broadcast_in_dim3A_40, %get3A_38, %broadcast_in_dim3A_41 : vector<64x128xi1>, vector<64x128xf32>
      %reduce_sum3A = arith.constant dense<0.000000e+00> : vector<64xf32>
      %reduce_sum3A_42 = vector.multi_reduction <add>, %select_n3A, %reduce_sum3A [1] : vector<64x128xf32> to vector<64xf32>
      %broadcast_in_dim3A_43 = vector.shape_cast %reduce_sum3A_42 : vector<64xf32> to vector<64x1xf32>
      %get3A_44 = arith.constant 0 : index
      %get3A_45 = arith.index_cast %multiple_of3A : i32 to index
      %get3A_46 = vector.load %arg6[%get3A_44, %get3A_45] : memref<64x25600xf32, #tpu.memory_space<vmem>>, vector<64x128xf32>
      %eq3A_47 = vector.broadcast %and3A_26 : i32 to vector<1x128xi32>
      %eq3A_48 = arith.cmpi eq, %iota3A, %eq3A_47 : vector<1x128xi32>
      %broadcast_in_dim3A_49 = vector.shape_cast %eq3A_48 : vector<1x128xi1> to vector<1x128xi1>
      %broadcast_in_dim3A_50 = vector.broadcast %broadcast_in_dim3A_49 : vector<1x128xi1> to vector<64x128xi1>
      %broadcast_in_dim3A_51 = vector.shape_cast %broadcast_in_dim3A_43 : vector<64x1xf32> to vector<64x1xf32>
      %broadcast_in_dim3A_52 = vector.broadcast %broadcast_in_dim3A_51 : vector<64x1xf32> to vector<64x128xf32>
      %select_n3A_53 = arith.select %broadcast_in_dim3A_50, %broadcast_in_dim3A_52, %get3A_46 : vector<64x128xi1>, vector<64x128xf32>
      %swap3A_54 = arith.constant 0 : index
      %swap3A_55 = arith.index_cast %multiple_of3A : i32 to index
      %swap3A_56 = vector.load %arg6[%swap3A_54, %swap3A_55] : memref<64x25600xf32, #tpu.memory_space<vmem>>, vector<64x128xf32>
      tpu.vector_store %arg6[%swap3A_54, %swap3A_55], %select_n3A_53 {strides = array<i32>} : memref<64x25600xf32, #tpu.memory_space<vmem>>, vector<64x128xf32>,
      %while3A_57 = arith.constant 0 : i32
      scf.yield %while3A_57 : i32
    }
    return
  }
  func.func @transform_0(%arg0: i32) -> i32 {
    %c0_i32 = arith.constant 0 : i32
    %c0_i32_0 = arith.constant 0 : i32
    return %c0_i32 : i32
  }
  func.func @transform_1(%arg0: i32) -> i32 {
    %c0_i32 = arith.constant 0 : i32
    %c0_i32_0 = arith.constant 0 : i32
    return %c0_i32 : i32
  }
  func.func @transform_2(%arg0: i32) -> i32 {
    %c0_i32 = arith.constant 0 : i32
    %c0_i32_0 = arith.constant 0 : i32
    return %c0_i32 : i32
  }
  func.func @transform_3(%arg0: i32) -> (i32, i32) {
    %c0_i32 = arith.constant 0 : i32
    %c0_i32_0 = arith.constant 0 : i32
    return %c0_i32, %arg0 : i32, i32
  }
  func.func @transform_4(%arg0: i32) -> (i32, i32) {
    %c0_i32 = arith.constant 0 : i32
    %c0_i32_0 = arith.constant 0 : i32
    %c0_i32_1 = arith.constant 0 : i32
    return %c0_i32, %c0_i32_0 : i32, i32
  }
  func.func @transform_5(%arg0: i32) -> (i32, i32) {
    %c0_i32 = arith.constant 0 : i32
    %c0_i32_0 = arith.constant 0 : i32
    return %c0_i32, %arg0 : i32, i32
  }
}

</mosaic_0001>

<sc_bundles>
// kernel: gather_offload_async_start.1
scs
__scs_entry_jumppad:
0x0: {  	(pc) =	sbr.rel $0x88, $3  }
0x1: {  	(tag) =	ssettag $0x0;
	lr =	simm.s32 $0x1  }
0x2: {  	[smem:$0x3F95] =	sst lr;
	_ =	strace $0xD0000000  }
0x3: {  	_ = 	snop  }
0x4: {  	_ = 	snop  }
0x5: {  	_ = 	snop  }
0x6: {  	_ = 	snop  }
0x7: {  	_ = 	snop  }
__scs_overlays_trampoline_lowered:
0x8: {  	[smem:$0x3FA4] =	sst s0  }
0x9: {  	[smem:$0x3FA5] =	sst s1  }
0xa: {  	[smem:$0x3FA6] =	sst s2  }
0xb: {  	[smem:$0x3FA7] =	sst s3  }
0xc: {  	[smem:$0x3FA8] =	sst s4  }
0xd: {  	[smem:$0x3FA9] =	sst s5  }
0xe: {  	[smem:$0x3FAA] =	sst s6  }
0xf: {  	[smem:$0x3FAB] =	sst s7  }
0x10: {  	[smem:$0x3FAC] =	sst s8  }
0x11: {  	[smem:$0x3FAD] =	sst s9;
	s0 =	simm.s32 @!p0 $0x0  }
0x12: {  	s1 =	sld [smem:$0x3F93];
	s0 =	simm.s32 @p0 $0x1  }
0x13: {  	[smem:$0x3FAE] =	sst s0;
	s0 =	simm.s32 @!p1 $0x0  }
0x14: {  	s2 =	sld [smem:$0x3F92];
	s0 =	simm.s32 @p1 $0x1  }
0x15: {  	[smem:$0x3FAF] =	sst s0;
	s0 =	simm.s32 @!p2 $0x0  }
0x16: {  	s3 =	sld [smem:$0x3FDB];
	s0 =	simm.s32 @p2 $0x1  }
0x17: {  	s4 =	simm.s32 $0x1BF5;
	[smem:$0x3FB1] =	sst s0  }
0x18: {  	s0 =	sld [smem:$0x3F94];
	_ =	swait.ge [sflag:s4], $0x0  }
0x19: {  	s7 =	sld [smem:$0x3F95]  }
0x1a: {  	s8 =	sadd.s32 $0xFFFFE003, lr  }
0x1b: {  	s9 =	sadd.s32 $0xFFFFFEF7, lr;
	s5 =	simm.s32 $0xFFFFFFFF;
	p2 =	slt.u32 s8, $0xFFFFF086  }
0x1c: {  	p1 =	slt.u32 s9, $0xF7A;
	s5 =	simm.s32 @!p2 $0x0  }
0x1d: {  	s5 =	simm.s32 @p1 $0x1;
	p0 =	seq.s32 s7, s2  }
0x1e: {  	s7 =	smul.u32 @!p0 $0xF7A, s2;
	p2 =	seq.s32 @!p0 s5, $0x0  }
0x1f: {  	s9 =	smul.u32 $0xF7A, s1;
	s8 =	simm.s32 @!p0 $0x1BF5;
	p2 =	por !p2, p0  }
0x20: {  	[sflag:s8] =	ssyncset.s32 @!p0 $0xFFFFF086;
	s6 =	sadd.s32 @!p0 s3, s7;
	s7 =	simm.s32 @!p0 $0x108  }
0x21: {  	s3 =	sadd.s32 s3, s9;
	s6 =	sadd.s32 @!p0 $0x88, s6;
	s7 =	simm.s32 @p2 $0x1082  }
0x22: {  	[simem:s7], [sflag:s8] =	dma.local @!p0 [hbm:s6], $0xF7A  }
0x23: {  	s9 =	sor.u32 $0xD0000000, s2;
	s6 =	simm.s32 $0x108;
	_ =	swait.ge @!p0 [sflag:s8], $0x0  }
0x24: {  	s3 =	sadd.s32 $0x88, s3;
	s6 =	simm.s32 @!p1 $0x1082;
	[sflag:s4] =	ssyncset.s32 $0xFFFFF086  }
0x25: {  	[simem:s6], [sflag:s4] =	dma.local [hbm:s3], $0xF7A  }
0x26: {  	[smem:$0x3F95] =	sst s1;
	(tag) =	ssettag s2;
	_ =	strace s9  }
0x27: {  	s1 =	sld [smem:$0x3FA5]  }
0x28: {  	s2 =	sld [smem:$0x3FA6]  }
0x29: {  	s4 =	sld [smem:$0x3FA8]  }
0x2a: {  	p0 =	seq.s32 s5, $0x0;
	s5 =	sld [smem:$0x3FA9]  }
0x2b: {  	s6 =	sld [smem:$0x3FAA]  }
0x2c: {  	s7 =	sld [smem:$0x3FAB]  }
0x2d: {  	s3 =	simm.s32 $0x108;
	s8 =	sld [smem:$0x3FAC]  }
0x2e: {  	s3 =	simm.s32 @!p0 $0x1082;
	s9 =	sld [smem:$0x3FAD]  }
0x2f: {  	lr =	sadd.s32 s0, s3;
	s0 =	sld [smem:$0x3FA4]  }
0x30: {  	s3 =	sld [smem:$0x3FA7]  }
0x31: {  	[smem:$0x3FB0] =	sst s10  }
0x32: {  	s10 =	sld [smem:$0x3FAE];
	_ =	sdelay $0x3  }
0x33: {  	p0 =	seq.s32 s10, $0x1;
	s10 =	sld [smem:$0x3FB0];
	_ =	sdelay $0x3  }
0x34: {  	[smem:$0x3FB0] =	sst s10  }
0x35: {  	s10 =	sld [smem:$0x3FAF];
	_ =	sdelay $0x3  }
0x36: {  	p1 =	seq.s32 s10, $0x1;
	s10 =	sld [smem:$0x3FB0];
	_ =	sdelay $0x3  }
0x37: {  	[smem:$0x3FB0] =	sst s10  }
0x38: {  	s10 =	sld [smem:$0x3FB1]  }
0x39: {  	_ = 	snop;
	(pc) =	sbr.ind lr, $3  }
0x3a: {  	_ = 	snop  }
0x3b: {  	_ = 	snop  }
0x3c: {  	p2 =	seq.s32 s10, $0x1;
	s10 =	sld [smem:$0x3FB0]  }
0x3d: {  	_ =	shalt  }
0x3e: {  	_ =	shalt  }
0x3f: {  	_ =	shalt  }
0x40: {  	_ =	shalt  }
0x41: {  	_ =	shalt  }
0x42: {  	_ =	shalt  }
0x43: {  	_ =	shalt  }
0x44: {  	_ =	shalt  }
0x45: {  	_ =	shalt  }
0x46: {  	_ =	shalt  }
0x47: {  	_ =	shalt  }
0x48: {  	_ =	shalt  }
0x49: {  	_ =	shalt  }
0x4a: {  	_ =	shalt  }
0x4b: {  	_ =	shalt  }
0x4c: {  	_ =	shalt  }
0x4d: {  	_ =	shalt  }
0x4e: {  	_ =	shalt  }
0x4f: {  	_ =	shalt  }
0x50: {  	_ =	shalt  }
0x51: {  	_ =	shalt  }
0x52: {  	_ =	shalt  }
0x53: {  	_ =	shalt  }
0x54: {  	_ =	shalt  }
0x55: {  	_ =	shalt  }
0x56: {  	_ =	shalt  }
0x57: {  	_ =	shalt  }
0x58: {  	_ =	shalt  }
0x59: {  	_ =	shalt  }
0x5a: {  	_ =	shalt  }
0x5b: {  	_ =	shalt  }
0x5c: {  	_ =	shalt  }
0x5d: {  	_ =	shalt  }
0x5e: {  	_ =	shalt  }
0x5f: {  	_ =	shalt  }
0x60: {  	_ =	shalt  }
0x61: {  	_ =	shalt  }
0x62: {  	_ =	shalt  }
0x63: {  	_ =	shalt  }
0x64: {  	_ =	shalt  }
0x65: {  	_ =	shalt  }
0x66: {  	_ =	shalt  }
0x67: {  	_ =	shalt  }
0x68: {  	_ =	shalt  }
0x69: {  	_ =	shalt  }
0x6a: {  	_ =	shalt  }
0x6b: {  	_ =	shalt  }
0x6c: {  	_ =	shalt  }
0x6d: {  	_ =	shalt  }
0x6e: {  	_ =	shalt  }
0x6f: {  	_ =	shalt  }
0x70: {  	_ =	shalt  }
0x71: {  	_ =	shalt  }
0x72: {  	_ =	shalt  }
0x73: {  	_ =	shalt  }
0x74: {  	_ =	shalt  }
0x75: {  	_ =	shalt  }
0x76: {  	_ =	shalt  }
0x77: {  	_ =	shalt  }
0x78: {  	_ =	shalt  }
0x79: {  	_ =	shalt  }
0x7a: {  	_ =	shalt  }
0x7b: {  	_ =	shalt  }
0x7c: {  	_ =	shalt  }
0x7d: {  	_ =	shalt  }
0x7e: {  	_ =	shalt  }
0x7f: {  	_ =	shalt  }
0x80: {  	_ =	shalt  }
0x81: {  	_ =	shalt  }
0x82: {  	_ =	shalt  }
0x83: {  	_ =	shalt  }
0x84: {  	_ =	shalt  }
0x85: {  	_ =	shalt  }
0x86: {  	_ =	shalt  }
0x87: {  	_ =	shalt  }
.Lfunc_end0:
.L_simem_size_0:
called_computation.1_lowered:
.L_overlay_start_0:
0x88: {  	s2 =	sld [smem:$0x3FD9]  }
0x89: {  	s3 =	sld [smem:$0x3FFE];
	_ =	sdelay $0x1  }
0x8a: {  	s1 =	srdreg.scid  }
0x8b: {  	s0 =	sand.u32 $0x1, s1  }
0x8c: {  	s17 =	sshll.u32 s0, $0xA;
	s2 =	sadd.s32 s3, s2  }
0x8d: {  	s2 =	sadd.s32 s2, s17  }
0x8e: {  	[smem:$0x3FBC] =	sst s2  }
0x8f: {  	_ = 	snop  }
0x90: {  	s2 =	sld [smem:$0x3FC7];
	(tm) =	ssettm $0x1  }
0x91: {  	s18 =	sld [smem:$0x3FFB];
	_ =	sdelay $0x3  }
0x92: {  	_ =	strace s18  }
0x93: {  	s3 =	sld [smem:$0x3FFC];
	_ =	sdelay $0x3  }
0x94: {  	_ =	strace s3  }
0x95: {  	s3 =	sld [smem:$0x3FFD];
	_ =	sdelay $0x3  }
0x96: {  	_ =	strace s3  }
0x97: {  	_ =	strace $0x8FFFFFFF  }
0x98: {  	s19 =	sld [smem:$0x3FDB];
	_ =	sdelay $0x1  }
0x99: {  	s4 =	simm.s32 $_scs_section_size  }
0x9a: {  	s5 =	simm.s32 $_size__tile_overlayer_lowered;
	s6 =	simm.s32 $_tile_overlayer_lowered  }
0x9b: {  	s22 =	simm.s32 $0x1BFF;
	s21 =	sshll.u32 s6, $0x1;
	s3 =	sadd.s32 s4, s19  }
0x9c: {  	s7 =	simm.s32 $0x0;
	s20 =	sshll.u32 s5, $0x1;
	s5 =	sadd.s32 s21, s3  }
0x9d: {  	[timem:s7], [sflag:s22] =	dma.local [hbm:s5], s20  }
0x9e: {  	_ =	swait.ge [sflag:s22], s20  }
0x9f: {  	s4 =	ssub.s32 $0x0, s20;
	[sflag:s22] =	ssyncset.done $0x0  }
0xa0: {  	[sflag:s22] =	ssyncadd.s32 s4;
	_ =	sdelay $0x1  }
0xa1: {  	s23 =	simm.s32 $0x1B8B  }
0xa2: {  	_ =	swait.ge [sflag:s23], $0x1  }
0xa3: {  	[sflag:s23] =	ssyncset.done $0x0  }
0xa4: {  	s25 =	simm.s32 $0x1B8E;
	s24 =	sld [smem:$0x3FFE];
	[sflag:s23] =	ssyncadd.s32 $0xFFFFFFFF  }
0xa5: {  	s26 =	simm.s32 $execute0_lowered;
	[smem:$0x3FD2] =	sst s25  }
0xa6: {  	s5 =	sshll.u32 s26, $0x1;
	_ =	strace $0x80000046;
	[dreg:$0x1] =	wrdreg $0xFFFFFFFF  }
0xa7: {  	s28 =	simm.s32 $_size_execute0_lowered;
	s3 =	sadd.s32 s3, s5;
	[dreg:$0x0] =	wrdreg $0x0  }
0xa8: {  	s5 =	sshll.u32 s28, $0x1;
	[dreg:$0x2] =	wrdreg s3  }
0xa9: {  	[dreg:$0x3] =	wrdreg s5  }
0xaa: {  	[dreg:$0x4] =	wrdreg $0xC0  }
0xab: {  	_ =	task [dreg:s7], $0x5FFFF  }
0xac: {  	[dreg:$0x1] =	wrdreg $0xFFFFFFFF  }
0xad: {  	[dreg:$0x0] =	wrdreg $0x60  }
0xae: {  	[dreg:$0x2] =	wrdreg s2  }
0xaf: {  	[dreg:$0x3] =	wrdreg s24  }
0xb0: {  	[dreg:$0x4] =	wrdreg $0xA  }
0xb1: {  	_ =	task.clear_ibuf [dreg:s7], $0x5FFFF;
	_ =	strace $0x90000046  }
0xb2: {  	s29 =	simm.s32 $0xA;
	_ =	strace $0x80000048  }
0xb3: {  	_ =	swait.ge [sflag:s29], $0x1  }
0xb4: {  	[sflag:s29] =	ssyncadd.s32 $0xFFFFFFFF  }
0xb5: {  	_ =	strace $0x90000048  }
0xb6: {  	_ =	sfence  }
0xb7: {  	s30 =	sld [smem:$0x0];
	_ =	sdelay $0x2  }
0xb8: {  	s31 =	sshll.u32 s1, $0xD;
	s1 =	sshrl.u32 s1, $0x2  }
0xb9: {  	s3 =	sand.u32 $0x4000, s31;
	s1 =	sadd.s32 s1, s30  }
0xba: {  	s0 =	sor.u32 s3, s0;
	s1 =	sshll.u32 s1, $0x11  }
0xbb: {  	s0 =	sor.u32 s1, s0  }
0xbc: {  	s0 =	sadd.s32 $0x8F2B, s0  }
0xbd: {  	[sflag:s0] =	ssyncadd.remote.s32 $0x1  }
0xbe: {  	_ =	sfence.sel $0xFFFF  }
0xbf: {  	[dreg:$0x0] =	wrdreg $0xFFFFFFFF;
	(pc) =	sbr.abs _section_cstart, $3  }
0xc0: {  	[dreg:$0x1] =	wrdreg $0xFFFFFFFF  }
0xc1: {  	_ =	task.clear_ibuf [dreg:s7], $0x2FFFF;
	_ =	strace $0x9FFFFFFF  }
0xc2: {  	(tm) =	ssettm $0x7FFFFFFF  }
0xc3: {  	_ =	shalt  }
tec
execute0_lowered:
.L_overlay_start_1:
0x0: {  	(tag) =	ssettag $0x1  }
0x1: {  	s1 =	srdreg.scid;
	s2 =	rddreg [dreg:$0x0]  }
0x2: {  	s0 =	stileid.u32;
	s5 =	rddreg [dreg:$0x1];
	s6 =	simm.s32 $0x1  }
0x3: {  	s9 =	simm.s32 $0x1;
	s10 =	simm.s32 $0x3;
	s1 =	sshll.u32 s1, $0x6  }
0x4: {  	s13 =	simm.s32 $0x0;
	s3 =	sshll.u32 s0, $0x7;
	s4 =	sand.u32 $0x40, s1  }
0x5: {  	s12 =	simm.s32 $0x0;
	s1 =	rddreg [dreg:$0x2];
	s3 =	sor.u32 s3, s4  }
0x6: {  	_ =	strace $0x80000047;
	s4 =	sadd.s32 $0x2800, s5;
	s8 =	ssub.s32 $0x1000, s3  }
.Ltmp0:
0x7: {  	s5 =	sadd.s32 $0x2C00, s5;
	s7 =	sand.u32 $0x7C0, s8;
	(pc) =	sbr.rel .LBB2_1-.Ltmp0, $4  }
0x8: {  	[sflag:s6] =	ssyncpa.u1 $0x0;
	s11 =	smov.u32 s3;
	p0 =	sne.s32 s7, $0x0  }
0x9: {  	s8 =	sshrl.u32 s8, $0xB;
	s7 =	simm.s32 $0x2;
	s9 =	simm.s32 @!p0 $0x0  }
0xa: {  	[sflag:s7] =	ssyncpa.u1 $0x0;
	p0 =	por $0x0, $0x0;
	s8 =	sadd.s32 s9, s8  }
0xb: {  	vm0 =	vmmov $0xffff;
	[sflag:s10] =	ssyncpa.u1 $0x0;
	s10 =	simm.s32 $0x0;
	s9 =	sadd.s32 $0x1, s8  }
.LBB2_4:
0xc: {  	v2 =	vnsel vm1, $0x0, v2  }
0xd: {  	vm1 =	vgt.s32 v0, $0x0;
	v2 =	vmin.u32 v2, $0xFFF  }
0xe: {  	v0 =	vnsel vm1, $0x0, v0  }
0xf: {  	v0 =	vmin.u32 v0, $0xFFF  }
0x10: {  	[tilespmem:s15], [sflag:$0x1] =	stream.indirect_vreg.gather [hbm4b:s2+s10], $0x1, v1, vm0, $0x4038;
	[tilespmem:$0x100] =	vst v63  }
0x11: {  	(ifvalue) =	ssetifvalue $0x7FFFFFFF  }
0x12: {  	[tilespmem:s16], [sflag:$0x1] =	stream.indirect_vreg.gather [hbm4b:s2+s10], $0x1, v2, vm0, $0x4038;
	[tilespmem:$0x100] =	vst v63  }
0x13: {  	s29 =	sadd.s32 $0x10, s16;
	(ifvalue) =	ssetifvalue $0x7FFFFFFF  }
0x14: {  	[tilespmem:s29], [sflag:$0x1] =	stream.indirect_vreg.gather [hbm4b:s2+s10], $0x1, v0, vm0, $0x4038;
	[tilespmem:$0x100] =	vst v63  }
0x15: {  	_ =	swait.ge [sflag:s6], $0x40  }
0x16: {  	s30 =	sshrl.u32 s13, $0x3;
	[sflag:s6] =	ssyncset.done $0x0  }
0x17: {  	s31 =	sand.u32 $0x7, s13;
	s15 =	sadd.s32 s5, s30;
	[sflag:s6] =	ssyncadd.s32 $0xFFFFFFC0  }
0x18: {  	[hbm4b:s15+s31] =	stream.linear.scatter [tilespmem:s14], [sflag:$0x3], $0x40, $0x38;
	[tilespmem:$0x100] =	vst v63  }
.LBB2_5:
0x19: {  	s15 =	sadd.s32 $0x800, s11  }
0x1a: {  	p2 =	sgt.s32 s15, $0xFFF  }
0x1b: {  	s15 =	smov.u32 @p2 s3;
	p2 =	sne.s32 s12, s9  }
.Ltmp1:
0x1c: {  	p1 =	slt.u32 s12, $0x2;
	(pc) =	sbr.rel @!p2 .LBB2_6-.Ltmp1, $4  }
0x1d: {  	s14 =	simm.s32 @!p1 $0x3  }
0x1e: {  	s16 =	sadd.s32 $0x1, s12;
	_ =	swait.ge @!p1 [sflag:s14], $0x40  }
0x1f: {  	s13 =	smov.u32 s11;
	p0 =	por !p0, !p0;
	[sflag:s14] =	ssyncset.done @!p1 $0x0  }
0x20: {  	s12 =	smov.u32 s16;
	s11 =	smov.u32 s15;
	[sflag:s14] =	ssyncadd.s32 @!p1 $0xFFFFFFC0  }
.LBB2_1:
0x21: {  	p1 =	sge.u32 s12, s8  }
0x22: {  	s14 =	sxor.u32 @!p1 $0xFFFFFFFF, s12  }
0x23: {  	s31 =	sadd.s32 $0xFFFFFFFF, s12;
	s15 =	sshrl.u32 @!p1 s11, $0x3;
	s14 =	sshll.u32 @!p1 s14, $0x6  }
0x24: {  	s16 =	sand.u32 @!p1 $0x7, s11;
	s15 =	sadd.s32 @!p1 s4, s15;
	s14 =	sand.u32 @!p1 $0x40, s14  }
0x25: {  	[tilespmem:s14], [sflag:$0x2] =	stream.linear.gather @!p1 [hbm4b:s15+s16], $0x40, $0x38;
	[tilespmem:$0x100] =	vst v63  }
0x26: {  	p1 =	sge.u32 s31, s8  }
.Ltmp2:
0x27: {  	_ = 	snop;
	(pc) =	sbr.rel @p1 .LBB2_5-.Ltmp2, $1  }
0x28: {  	_ =	sdelay $0x3  }
0x29: {  	s14 =	simm.s32 $0x1  }
0x2a: {  	_ =	swait.ge [sflag:s7], $0x40;
	s14 =	simm.s32 @!p0 $0x0  }
0x2b: {  	[sflag:s7] =	ssyncset.done $0x0;
	s14 =	sshll.u32 s14, $0x6  }
0x2c: {  	[sflag:s7] =	ssyncadd.s32 $0xFFFFFFC0;
	(ifvalue) =	ssetifvalue $0x7FFFFFFF;
	v0 =	vld.msk [tilespmem:s14+$0x0 ss:$0x1], $0xffff;
	_ =	sdelay $0x4  }
0x2d: {  	s15 =	sadd.s32 $0x10, s14;
	vm1 =	vgt.s32 v0, $0x0  }
0x2e: {  	v2 =	vld.msk [tilespmem:s15+$0x0 ss:$0x1], $0xffff;
	v1 =	vnsel vm1, $0x0, v0  }
0x2f: {  	v1 =	vmin.u32 v1, $0xFFF;
	_ =	sdelay $0x1  }
0x30: {  	s16 =	sshll.u32 s12, $0x6;
	s18 =	simm.s32 $0x20  }
0x31: {  	s16 =	sand.u32 $0x40, s16;
	s17 =	sadd.s32 $0x10, s15;
	s15 =	sor.u32 $0x80, s14  }
0x32: {  	s14 =	sor.u32 $0x80, s16;
	s16 =	sadd.s32 $0x10, s15;
	v0 =	vld.msk [tilespmem:s17+$0x0 ss:$0x1], $0xffff;
	vm1 =	vgt.s32 v2, $0x0;
	(ifvalue) =	ssetifvalue $0x7FFFFFFF  }
.LBB2_3:
0x33: {  	[tilespmem:s15], [sflag:$0x1] =	stream.indirect_vreg.gather [hbm4b:s2+s10], $0x1, v1, vm0, $0x4038;
	[tilespmem:$0x100] =	vst v63  }
0x34: {  	s18 =	sadd.s32 $0x10, s18  }
0x35: {  	v2 =	vnsel vm1, $0x0, v2;
	p1 =	slt.u32 s18, $0x30  }
.Ltmp3:
0x36: {  	s15 =	smov.u32 s16;
	v1 =	vmin.u32 v2, $0xFFF;
	(pc) =	sbr.rel @p1 .LBB2_3-.Ltmp3, $3  }
0x37: {  	_ =	sdelay $0x1  }
0x38: {  	s17 =	sadd.s32 $0x10, s17  }
0x39: {  	vm1 =	vgt.s32 v0, $0x0;
	s16 =	sadd.s32 $0x10, s16;
	v2 =	vmov v0;
	(ifvalue) =	ssetifvalue $0x7FFFFFFF;
	v0 =	vld.msk [tilespmem:s17+$0x0 ss:$0x1], $0xffff  }
.Ltmp4:
0x3a: {  	_ = 	snop;
	(pc) =	sbr.rel .LBB2_4-.Ltmp4, $1  }
0x3b: {  	_ =	sdelay $0x3  }
.LBB2_6:
0x3c: {  	_ =	sfence.sel $0x180000  }
0x3d: {  	s2 =	simm.s32 $0x2;
	[bflag:$0x0] =	sbarrier.arrive $0xFFFF  }
0x3e: {  	s30 =	simm.s32 $0x3;
	[sflag:s2] =	ssyncpa.u1 $0x1  }
0x3f: {  	s31 =	simm.s32 $0x1;
	[sflag:s30] =	ssyncpa.u1 $0x1  }
0x40: {  	[sflag:s31] =	ssyncpa.u1 $0x1  }
0x41: {  	p0 =	sne.s32 s0, $0x0;
	_ =	strace $0x90000047  }
0x42: {  	s0 =	sadd.s32 @!p0 $0x100000, s1;
	[bflag:$0x2] =	sbarrier.arrive $0xFFFF  }
0x43: {  	[sflag:s0] =	ssyncadd.tile.s32 @!p0 $0x1;
	_ =	shalt  }
.Lfunc_end2:
_tile_overlayer_lowered:
.L_overlay_start_2:
0x44: {  	(tag) =	ssettag $0x2  }
0x45: {  	s0 =	rddreg [dreg:$0x0];
	s2 =	stileid.u32  }
0x46: {  	s1 =	rddreg [dreg:$0x1];
	p0 =	sne.s32 s2, $0x0  }
0x47: {  	s3 =	rddreg [dreg:$0x2];
	[bflag:$0x3] =	sbarrier.arrive $0xFFFF;
	s2 =	simm.s32 @!p0 $0x1C01  }
0x48: {  	[timem:s3], [sflag:s2] =	dma.local @!p0 [hbm:s0], s1  }
0x49: {  	s0 =	simm.s32 @!p0 $0x1  }
0x4a: {  	_ =	swait.ge @!p0 [sflag:s0], s1  }
0x4b: {  	s1 =	ssub.s32 @!p0 $0x0, s1;
	[sflag:s0] =	ssyncset.done @!p0 $0x0  }
0x4c: {  	[sflag:s0] =	ssyncadd.s32 @!p0 s1  }
0x4d: {  	[bflag:$0x3] =	sbarrier.arrive $0xFFFF  }
0x4e: {  	_ =	shalt  }

// kernel: gather_offload_async_start
scs
__scs_entry_jumppad:
0x0: {  	(pc) =	sbr.rel $0x88, $3  }
0x1: {  	(tag) =	ssettag $0x0;
	lr =	simm.s32 $0x1  }
0x2: {  	[smem:$0x3F95] =	sst lr;
	_ =	strace $0xD0000000  }
0x3: {  	_ = 	snop  }
0x4: {  	_ = 	snop  }
0x5: {  	_ = 	snop  }
0x6: {  	_ = 	snop  }
0x7: {  	_ = 	snop  }
__scs_overlays_trampoline_lowered:
0x8: {  	[smem:$0x3FA4] =	sst s0  }
0x9: {  	[smem:$0x3FA5] =	sst s1  }
0xa: {  	[smem:$0x3FA6] =	sst s2  }
0xb: {  	[smem:$0x3FA7] =	sst s3  }
0xc: {  	[smem:$0x3FA8] =	sst s4  }
0xd: {  	[smem:$0x3FA9] =	sst s5  }
0xe: {  	[smem:$0x3FAA] =	sst s6  }
0xf: {  	[smem:$0x3FAB] =	sst s7  }
0x10: {  	[smem:$0x3FAC] =	sst s8  }
0x11: {  	[smem:$0x3FAD] =	sst s9;
	s0 =	simm.s32 @!p0 $0x0  }
0x12: {  	s1 =	sld [smem:$0x3F93];
	s0 =	simm.s32 @p0 $0x1  }
0x13: {  	[smem:$0x3FAE] =	sst s0;
	s0 =	simm.s32 @!p1 $0x0  }
0x14: {  	s2 =	sld [smem:$0x3F92];
	s0 =	simm.s32 @p1 $0x1  }
0x15: {  	[smem:$0x3FAF] =	sst s0;
	s0 =	simm.s32 @!p2 $0x0  }
0x16: {  	s3 =	sld [smem:$0x3FDB];
	s0 =	simm.s32 @p2 $0x1  }
0x17: {  	s4 =	simm.s32 $0x1BF5;
	[smem:$0x3FB1] =	sst s0  }
0x18: {  	s0 =	sld [smem:$0x3F94];
	_ =	swait.ge [sflag:s4], $0x0  }
0x19: {  	s7 =	sld [smem:$0x3F95]  }
0x1a: {  	s8 =	sadd.s32 $0xFFFFE003, lr  }
0x1b: {  	s9 =	sadd.s32 $0xFFFFFEF7, lr;
	s5 =	simm.s32 $0xFFFFFFFF;
	p2 =	slt.u32 s8, $0xFFFFF086  }
0x1c: {  	p1 =	slt.u32 s9, $0xF7A;
	s5 =	simm.s32 @!p2 $0x0  }
0x1d: {  	s5 =	simm.s32 @p1 $0x1;
	p0 =	seq.s32 s7, s2  }
0x1e: {  	s7 =	smul.u32 @!p0 $0xF7A, s2;
	p2 =	seq.s32 @!p0 s5, $0x0  }
0x1f: {  	s9 =	smul.u32 $0xF7A, s1;
	s8 =	simm.s32 @!p0 $0x1BF5;
	p2 =	por !p2, p0  }
0x20: {  	[sflag:s8] =	ssyncset.s32 @!p0 $0xFFFFF086;
	s6 =	sadd.s32 @!p0 s3, s7;
	s7 =	simm.s32 @!p0 $0x108  }
0x21: {  	s3 =	sadd.s32 s3, s9;
	s6 =	sadd.s32 @!p0 $0x88, s6;
	s7 =	simm.s32 @p2 $0x1082  }
0x22: {  	[simem:s7], [sflag:s8] =	dma.local @!p0 [hbm:s6], $0xF7A  }
0x23: {  	s9 =	sor.u32 $0xD0000000, s2;
	s6 =	simm.s32 $0x108;
	_ =	swait.ge @!p0 [sflag:s8], $0x0  }
0x24: {  	s3 =	sadd.s32 $0x88, s3;
	s6 =	simm.s32 @!p1 $0x1082;
	[sflag:s4] =	ssyncset.s32 $0xFFFFF086  }
0x25: {  	[simem:s6], [sflag:s4] =	dma.local [hbm:s3], $0xF7A  }
0x26: {  	[smem:$0x3F95] =	sst s1;
	(tag) =	ssettag s2;
	_ =	strace s9  }
0x27: {  	s1 =	sld [smem:$0x3FA5]  }
0x28: {  	s2 =	sld [smem:$0x3FA6]  }
0x29: {  	s4 =	sld [smem:$0x3FA8]  }
0x2a: {  	p0 =	seq.s32 s5, $0x0;
	s5 =	sld [smem:$0x3FA9]  }
0x2b: {  	s6 =	sld [smem:$0x3FAA]  }
0x2c: {  	s7 =	sld [smem:$0x3FAB]  }
0x2d: {  	s3 =	simm.s32 $0x108;
	s8 =	sld [smem:$0x3FAC]  }
0x2e: {  	s3 =	simm.s32 @!p0 $0x1082;
	s9 =	sld [smem:$0x3FAD]  }
0x2f: {  	lr =	sadd.s32 s0, s3;
	s0 =	sld [smem:$0x3FA4]  }
0x30: {  	s3 =	sld [smem:$0x3FA7]  }
0x31: {  	[smem:$0x3FB0] =	sst s10  }
0x32: {  	s10 =	sld [smem:$0x3FAE];
	_ =	sdelay $0x3  }
0x33: {  	p0 =	seq.s32 s10, $0x1;
	s10 =	sld [smem:$0x3FB0];
	_ =	sdelay $0x3  }
0x34: {  	[smem:$0x3FB0] =	sst s10  }
0x35: {  	s10 =	sld [smem:$0x3FAF];
	_ =	sdelay $0x3  }
0x36: {  	p1 =	seq.s32 s10, $0x1;
	s10 =	sld [smem:$0x3FB0];
	_ =	sdelay $0x3  }
0x37: {  	[smem:$0x3FB0] =	sst s10  }
0x38: {  	s10 =	sld [smem:$0x3FB1]  }
0x39: {  	_ = 	snop;
	(pc) =	sbr.ind lr, $3  }
0x3a: {  	_ = 	snop  }
0x3b: {  	_ = 	snop  }
0x3c: {  	p2 =	seq.s32 s10, $0x1;
	s10 =	sld [smem:$0x3FB0]  }
0x3d: {  	_ =	shalt  }
0x3e: {  	_ =	shalt  }
0x3f: {  	_ =	shalt  }
0x40: {  	_ =	shalt  }
0x41: {  	_ =	shalt  }
0x42: {  	_ =	shalt  }
0x43: {  	_ =	shalt  }
0x44: {  	_ =	shalt  }
0x45: {  	_ =	shalt  }
0x46: {  	_ =	shalt  }
0x47: {  	_ =	shalt  }
0x48: {  	_ =	shalt  }
0x49: {  	_ =	shalt  }
0x4a: {  	_ =	shalt  }
0x4b: {  	_ =	shalt  }
0x4c: {  	_ =	shalt  }
0x4d: {  	_ =	shalt  }
0x4e: {  	_ =	shalt  }
0x4f: {  	_ =	shalt  }
0x50: {  	_ =	shalt  }
0x51: {  	_ =	shalt  }
0x52: {  	_ =	shalt  }
0x53: {  	_ =	shalt  }
0x54: {  	_ =	shalt  }
0x55: {  	_ =	shalt  }
0x56: {  	_ =	shalt  }
0x57: {  	_ =	shalt  }
0x58: {  	_ =	shalt  }
0x59: {  	_ =	shalt  }
0x5a: {  	_ =	shalt  }
0x5b: {  	_ =	shalt  }
0x5c: {  	_ =	shalt  }
0x5d: {  	_ =	shalt  }
0x5e: {  	_ =	shalt  }
0x5f: {  	_ =	shalt  }
0x60: {  	_ =	shalt  }
0x61: {  	_ =	shalt  }
0x62: {  	_ =	shalt  }
0x63: {  	_ =	shalt  }
0x64: {  	_ =	shalt  }
0x65: {  	_ =	shalt  }
0x66: {  	_ =	shalt  }
0x67: {  	_ =	shalt  }
0x68: {  	_ =	shalt  }
0x69: {  	_ =	shalt  }
0x6a: {  	_ =	shalt  }
0x6b: {  	_ =	shalt  }
0x6c: {  	_ =	shalt  }
0x6d: {  	_ =	shalt  }
0x6e: {  	_ =	shalt  }
0x6f: {  	_ =	shalt  }
0x70: {  	_ =	shalt  }
0x71: {  	_ =	shalt  }
0x72: {  	_ =	shalt  }
0x73: {  	_ =	shalt  }
0x74: {  	_ =	shalt  }
0x75: {  	_ =	shalt  }
0x76: {  	_ =	shalt  }
0x77: {  	_ =	shalt  }
0x78: {  	_ =	shalt  }
0x79: {  	_ =	shalt  }
0x7a: {  	_ =	shalt  }
0x7b: {  	_ =	shalt  }
0x7c: {  	_ =	shalt  }
0x7d: {  	_ =	shalt  }
0x7e: {  	_ =	shalt  }
0x7f: {  	_ =	shalt  }
0x80: {  	_ =	shalt  }
0x81: {  	_ =	shalt  }
0x82: {  	_ =	shalt  }
0x83: {  	_ =	shalt  }
0x84: {  	_ =	shalt  }
0x85: {  	_ =	shalt  }
0x86: {  	_ =	shalt  }
0x87: {  	_ =	shalt  }
.Lfunc_end0:
.L_simem_size_0:
called_computation_lowered:
.L_overlay_start_0:
0x88: {  	s2 =	sld [smem:$0x3FD9]  }
0x89: {  	s3 =	sld [smem:$0x3FFE];
	_ =	sdelay $0x1  }
0x8a: {  	s1 =	srdreg.scid  }
0x8b: {  	s0 =	sand.u32 $0x1, s1  }
0x8c: {  	s17 =	sshll.u32 s0, $0xA;
	s2 =	sadd.s32 s3, s2  }
0x8d: {  	s2 =	sadd.s32 s2, s17  }
0x8e: {  	[smem:$0x3FBC] =	sst s2  }
0x8f: {  	_ = 	snop  }
0x90: {  	s18 =	sld [smem:$0x3FC9];
	(tm) =	ssettm $0x1  }
0x91: {  	s19 =	sld [smem:$0x3FFB];
	_ =	sdelay $0x3  }
0x92: {  	_ =	strace s19  }
0x93: {  	s2 =	sld [smem:$0x3FFC];
	_ =	sdelay $0x3  }
0x94: {  	_ =	strace s2  }
0x95: {  	s2 =	sld [smem:$0x3FFD];
	_ =	sdelay $0x3  }
0x96: {  	_ =	strace s2  }
0x97: {  	_ =	strace $0x8FFFFFFF  }
0x98: {  	s20 =	sld [smem:$0x3FDB];
	_ =	sdelay $0x1  }
0x99: {  	s4 =	simm.s32 $_scs_section_size  }
0x9a: {  	s5 =	simm.s32 $_size__tile_overlayer_lowered;
	s6 =	simm.s32 $_tile_overlayer_lowered  }
0x9b: {  	s7 =	simm.s32 $0x1BFF;
	s21 =	sshll.u32 s6, $0x1;
	s4 =	sadd.s32 s4, s20  }
0x9c: {  	s22 =	simm.s32 $0x0;
	s5 =	sshll.u32 s5, $0x1;
	s6 =	sadd.s32 s21, s4  }
0x9d: {  	[timem:s22], [sflag:s7] =	dma.local [hbm:s6], s5  }
0x9e: {  	_ =	swait.ge [sflag:s7], s5  }
0x9f: {  	s5 =	ssub.s32 $0x0, s5;
	[sflag:s7] =	ssyncset.done $0x0  }
0xa0: {  	[sflag:s7] =	ssyncadd.s32 s5;
	_ =	sdelay $0x1  }
0xa1: {  	s23 =	simm.s32 $0x1B8B  }
0xa2: {  	_ =	swait.ge [sflag:s23], $0x1  }
0xa3: {  	[sflag:s23] =	ssyncset.done $0x0  }
0xa4: {  	[sflag:s23] =	ssyncadd.s32 $0xFFFFFFFF  }
0xa5: {  	s5 =	sld [smem:$0x0]  }
0xa6: {  	s6 =	sand.u32 $0xFFFFFFFE, s1  }
0xa7: {  	p0 =	sne.s32 s1, s6  }
0xa8: {  	s6 =	sshll.u32 @p0 s6, $0xE  }
0xa9: {  	s6 =	sadd.s32 @p0 $0x11B8D, s6;
	s7 =	sshll.u32 @p0 s5, $0x11  }
0xaa: {  	s6 =	sor.u32 @p0 s7, s6  }
0xab: {  	[sflag:s6] =	ssyncadd.remote.s32 @p0 $0x1;
	_ =	sdelay $0x1  }
0xac: {  	s6 =	simm.s32 @p0 $0x1B8D  }
0xad: {  	_ =	swait.eq @p0 [sflag:s6], $0x1  }
0xae: {  	[sflag:s6] =	ssyncadd.s32 @p0 $0xFFFFFFFF  }
0xaf: {  	s7 =	sshll.u32 @!p0 s1, $0xE  }
0xb0: {  	s7 =	sor.u32 @!p0 $0x4000, s7;
	s6 =	simm.s32 @!p0 $0x1B8D  }
0xb1: {  	s5 =	sshll.u32 @!p0 s5, $0x11;
	s7 =	sadd.s32 @!p0 $0x11B8D, s7;
	_ =	swait.eq @!p0 [sflag:s6], $0x1  }
0xb2: {  	s5 =	sor.u32 @!p0 s5, s7;
	[sflag:s6] =	ssyncadd.s32 @!p0 $0xFFFFFFFF  }
0xb3: {  	s25 =	simm.s32 $0x1B8E;
	s24 =	sld [smem:$0x3FFE];
	[sflag:s5] =	ssyncadd.remote.s32 @!p0 $0x1  }
0xb4: {  	s26 =	simm.s32 $execute0_lowered;
	[smem:$0x3FD2] =	sst s25  }
0xb5: {  	s6 =	sshll.u32 s26, $0x1;
	_ =	strace $0x80000049;
	[dreg:$0x1] =	wrdreg $0xFFFFFFFF  }
0xb6: {  	s28 =	simm.s32 $_size_execute0_lowered;
	s4 =	sadd.s32 s4, s6;
	[dreg:$0x0] =	wrdreg $0x0  }
0xb7: {  	s6 =	sshll.u32 s28, $0x1;
	[dreg:$0x2] =	wrdreg s4  }
0xb8: {  	[dreg:$0x3] =	wrdreg s6  }
0xb9: {  	[dreg:$0x4] =	wrdreg $0xC0  }
0xba: {  	_ =	task [dreg:s22], $0x5FFFF  }
0xbb: {  	[dreg:$0x1] =	wrdreg $0xFFFFFFFF  }
0xbc: {  	[dreg:$0x0] =	wrdreg $0x60  }
0xbd: {  	[dreg:$0x2] =	wrdreg s18  }
0xbe: {  	[dreg:$0x3] =	wrdreg s24  }
0xbf: {  	[dreg:$0x4] =	wrdreg $0x9  }
0xc0: {  	_ =	task.clear_ibuf [dreg:s22], $0x5FFFF;
	_ =	strace $0x90000049  }
0xc1: {  	s29 =	simm.s32 $0x9;
	_ =	strace $0x8000004B  }
0xc2: {  	_ =	swait.ge [sflag:s29], $0x1  }
0xc3: {  	[sflag:s29] =	ssyncadd.s32 $0xFFFFFFFF  }
0xc4: {  	_ =	strace $0x9000004B  }
0xc5: {  	_ =	sfence  }
0xc6: {  	s30 =	sld [smem:$0x0];
	_ =	sdelay $0x2  }
0xc7: {  	s31 =	sshll.u32 s1, $0xD;
	s1 =	sshrl.u32 s1, $0x2  }
0xc8: {  	s4 =	sand.u32 $0x4000, s31;
	s1 =	sadd.s32 s1, s30  }
0xc9: {  	s0 =	sor.u32 s4, s0;
	s1 =	sshll.u32 s1, $0x11  }
0xca: {  	s0 =	sor.u32 s1, s0  }
0xcb: {  	s0 =	sadd.s32 $0x8F2B, s0  }
0xcc: {  	[sflag:s0] =	ssyncadd.remote.s32 $0x1  }
0xcd: {  	_ =	sfence.sel $0xFFFF  }
0xce: {  	[dreg:$0x0] =	wrdreg $0xFFFFFFFF;
	(pc) =	sbr.abs _section_cstart, $3  }
0xcf: {  	[dreg:$0x1] =	wrdreg $0xFFFFFFFF  }
0xd0: {  	_ =	task.clear_ibuf [dreg:s22], $0x2FFFF;
	_ =	strace $0x9FFFFFFF  }
0xd1: {  	(tm) =	ssettm $0x7FFFFFFF  }
tec
execute0_lowered:
.L_overlay_start_1:
0x0: {  	(tag) =	ssettag $0x1  }
0x1: {  	s1 =	srdreg.scid;
	s2 =	rddreg [dreg:$0x0]  }
0x2: {  	s0 =	stileid.u32;
	s5 =	rddreg [dreg:$0x1];
	s6 =	simm.s32 $0x1  }
0x3: {  	s9 =	simm.s32 $0x1;
	s10 =	simm.s32 $0x3;
	s1 =	sshll.u32 s1, $0x6  }
0x4: {  	s13 =	simm.s32 $0x0;
	s3 =	sshll.u32 s0, $0x7;
	s4 =	sand.u32 $0x40, s1  }
0x5: {  	s12 =	simm.s32 $0x0;
	s1 =	rddreg [dreg:$0x2];
	s3 =	sor.u32 s3, s4  }
0x6: {  	_ =	strace $0x8000004A;
	s4 =	sadd.s32 $0x2E00, s5;
	s8 =	ssub.s32 $0x1000, s3  }
.Ltmp0:
0x7: {  	s5 =	sadd.s32 $0x3000, s5;
	s7 =	sand.u32 $0x7C0, s8;
	(pc) =	sbr.rel .LBB2_1-.Ltmp0, $4  }
0x8: {  	[sflag:s6] =	ssyncpa.u1 $0x0;
	s11 =	smov.u32 s3;
	p0 =	sne.s32 s7, $0x0  }
0x9: {  	s8 =	sshrl.u32 s8, $0xB;
	s7 =	simm.s32 $0x2;
	s9 =	simm.s32 @!p0 $0x0  }
0xa: {  	[sflag:s7] =	ssyncpa.u1 $0x0;
	p0 =	por $0x0, $0x0;
	s8 =	sadd.s32 s9, s8  }
0xb: {  	vm0 =	vmmov $0xffff;
	[sflag:s10] =	ssyncpa.u1 $0x0;
	s10 =	simm.s32 $0x0;
	s9 =	sadd.s32 $0x1, s8  }
.LBB2_4:
0xc: {  	v2 =	vnsel vm1, $0x0, v2  }
0xd: {  	vm1 =	vgt.s32 v0, $0x0;
	v2 =	vmin.u32 v2, $0xFFF  }
0xe: {  	v0 =	vnsel vm1, $0x0, v0  }
0xf: {  	v0 =	vmin.u32 v0, $0xFFF  }
0x10: {  	[tilespmem:s15], [sflag:$0x1] =	stream.indirect_vreg.gather [hbm4b:s2+s10], $0x1, v1, vm0, $0x4038;
	[tilespmem:$0x100] =	vst v63  }
0x11: {  	(ifvalue) =	ssetifvalue $0x7FFFFFFF  }
0x12: {  	[tilespmem:s16], [sflag:$0x1] =	stream.indirect_vreg.gather [hbm4b:s2+s10], $0x1, v2, vm0, $0x4038;
	[tilespmem:$0x100] =	vst v63  }
0x13: {  	s29 =	sadd.s32 $0x10, s16;
	(ifvalue) =	ssetifvalue $0x7FFFFFFF  }
0x14: {  	[tilespmem:s29], [sflag:$0x1] =	stream.indirect_vreg.gather [hbm4b:s2+s10], $0x1, v0, vm0, $0x4038;
	[tilespmem:$0x100] =	vst v63  }
0x15: {  	_ =	swait.ge [sflag:s6], $0x40  }
0x16: {  	s30 =	sshrl.u32 s13, $0x3;
	[sflag:s6] =	ssyncset.done $0x0  }
0x17: {  	s31 =	sand.u32 $0x7, s13;
	s15 =	sadd.s32 s5, s30;
	[sflag:s6] =	ssyncadd.s32 $0xFFFFFFC0  }
0x18: {  	[hbm4b:s15+s31] =	stream.linear.scatter [tilespmem:s14], [sflag:$0x3], $0x40, $0x38;
	[tilespmem:$0x100] =	vst v63  }
.LBB2_5:
0x19: {  	s15 =	sadd.s32 $0x800, s11  }
0x1a: {  	p2 =	sgt.s32 s15, $0xFFF  }
0x1b: {  	s15 =	smov.u32 @p2 s3;
	p2 =	sne.s32 s12, s9  }
.Ltmp1:
0x1c: {  	p1 =	slt.u32 s12, $0x2;
	(pc) =	sbr.rel @!p2 .LBB2_6-.Ltmp1, $4  }
0x1d: {  	s14 =	simm.s32 @!p1 $0x3  }
0x1e: {  	s16 =	sadd.s32 $0x1, s12;
	_ =	swait.ge @!p1 [sflag:s14], $0x40  }
0x1f: {  	s13 =	smov.u32 s11;
	p0 =	por !p0, !p0;
	[sflag:s14] =	ssyncset.done @!p1 $0x0  }
0x20: {  	s12 =	smov.u32 s16;
	s11 =	smov.u32 s15;
	[sflag:s14] =	ssyncadd.s32 @!p1 $0xFFFFFFC0  }
.LBB2_1:
0x21: {  	p1 =	sge.u32 s12, s8  }
0x22: {  	s14 =	sxor.u32 @!p1 $0xFFFFFFFF, s12  }
0x23: {  	s31 =	sadd.s32 $0xFFFFFFFF, s12;
	s15 =	sshrl.u32 @!p1 s11, $0x3;
	s14 =	sshll.u32 @!p1 s14, $0x6  }
0x24: {  	s16 =	sand.u32 @!p1 $0x7, s11;
	s15 =	sadd.s32 @!p1 s4, s15;
	s14 =	sand.u32 @!p1 $0x40, s14  }
0x25: {  	[tilespmem:s14], [sflag:$0x2] =	stream.linear.gather @!p1 [hbm4b:s15+s16], $0x40, $0x38;
	[tilespmem:$0x100] =	vst v63  }
0x26: {  	p1 =	sge.u32 s31, s8  }
.Ltmp2:
0x27: {  	_ = 	snop;
	(pc) =	sbr.rel @p1 .LBB2_5-.Ltmp2, $1  }
0x28: {  	_ =	sdelay $0x3  }
0x29: {  	s14 =	simm.s32 $0x1  }
0x2a: {  	_ =	swait.ge [sflag:s7], $0x40;
	s14 =	simm.s32 @!p0 $0x0  }
0x2b: {  	[sflag:s7] =	ssyncset.done $0x0;
	s14 =	sshll.u32 s14, $0x6  }
0x2c: {  	[sflag:s7] =	ssyncadd.s32 $0xFFFFFFC0;
	(ifvalue) =	ssetifvalue $0x7FFFFFFF;
	v0 =	vld.msk [tilespmem:s14+$0x0 ss:$0x1], $0xffff;
	_ =	sdelay $0x4  }
0x2d: {  	s15 =	sadd.s32 $0x10, s14;
	vm1 =	vgt.s32 v0, $0x0  }
0x2e: {  	v2 =	vld.msk [tilespmem:s15+$0x0 ss:$0x1], $0xffff;
	v1 =	vnsel vm1, $0x0, v0  }
0x2f: {  	v1 =	vmin.u32 v1, $0xFFF;
	_ =	sdelay $0x1  }
0x30: {  	s16 =	sshll.u32 s12, $0x6;
	s18 =	simm.s32 $0x20  }
0x31: {  	s16 =	sand.u32 $0x40, s16;
	s17 =	sadd.s32 $0x10, s15;
	s15 =	sor.u32 $0x80, s14  }
0x32: {  	s14 =	sor.u32 $0x80, s16;
	s16 =	sadd.s32 $0x10, s15;
	v0 =	vld.msk [tilespmem:s17+$0x0 ss:$0x1], $0xffff;
	vm1 =	vgt.s32 v2, $0x0;
	(ifvalue) =	ssetifvalue $0x7FFFFFFF  }
.LBB2_3:
0x33: {  	[tilespmem:s15], [sflag:$0x1] =	stream.indirect_vreg.gather [hbm4b:s2+s10], $0x1, v1, vm0, $0x4038;
	[tilespmem:$0x100] =	vst v63  }
0x34: {  	s18 =	sadd.s32 $0x10, s18  }
0x35: {  	v2 =	vnsel vm1, $0x0, v2;
	p1 =	slt.u32 s18, $0x30  }
.Ltmp3:
0x36: {  	s15 =	smov.u32 s16;
	v1 =	vmin.u32 v2, $0xFFF;
	(pc) =	sbr.rel @p1 .LBB2_3-.Ltmp3, $3  }
0x37: {  	_ =	sdelay $0x1  }
0x38: {  	s17 =	sadd.s32 $0x10, s17  }
0x39: {  	vm1 =	vgt.s32 v0, $0x0;
	s16 =	sadd.s32 $0x10, s16;
	v2 =	vmov v0;
	(ifvalue) =	ssetifvalue $0x7FFFFFFF;
	v0 =	vld.msk [tilespmem:s17+$0x0 ss:$0x1], $0xffff  }
.Ltmp4:
0x3a: {  	_ = 	snop;
	(pc) =	sbr.rel .LBB2_4-.Ltmp4, $1  }
0x3b: {  	_ =	sdelay $0x3  }
.LBB2_6:
0x3c: {  	_ =	sfence.sel $0x180000  }
0x3d: {  	s2 =	simm.s32 $0x2;
	[bflag:$0x0] =	sbarrier.arrive $0xFFFF  }
0x3e: {  	s30 =	simm.s32 $0x3;
	[sflag:s2] =	ssyncpa.u1 $0x1  }
0x3f: {  	s31 =	simm.s32 $0x1;
	[sflag:s30] =	ssyncpa.u1 $0x1  }
0x40: {  	[sflag:s31] =	ssyncpa.u1 $0x1  }
0x41: {  	p0 =	sne.s32 s0, $0x0;
	_ =	strace $0x9000004A  }
0x42: {  	s0 =	sadd.s32 @!p0 $0x100000, s1;
	[bflag:$0x2] =	sbarrier.arrive $0xFFFF  }
0x43: {  	[sflag:s0] =	ssyncadd.tile.s32 @!p0 $0x1;
	_ =	shalt  }
.Lfunc_end2:
_tile_overlayer_lowered:
.L_overlay_start_2:
0x44: {  	(tag) =	ssettag $0x2  }
0x45: {  	s0 =	rddreg [dreg:$0x0];
	s2 =	stileid.u32  }
0x46: {  	s1 =	rddreg [dreg:$0x1];
	p0 =	sne.s32 s2, $0x0  }
0x47: {  	s3 =	rddreg [dreg:$0x2];
	[bflag:$0x3] =	sbarrier.arrive $0xFFFF;
	s2 =	simm.s32 @!p0 $0x1C01  }
0x48: {  	[timem:s3], [sflag:s2] =	dma.local @!p0 [hbm:s0], s1  }
0x49: {  	s0 =	simm.s32 @!p0 $0x1  }
0x4a: {  	_ =	swait.ge @!p0 [sflag:s0], s1  }
0x4b: {  	s1 =	ssub.s32 @!p0 $0x0, s1;
	[sflag:s0] =	ssyncset.done @!p0 $0x0  }
0x4c: {  	[sflag:s0] =	ssyncadd.s32 @!p0 s1  }
0x4d: {  	[bflag:$0x3] =	sbarrier.arrive $0xFFFF  }
0x4e: {  	_ =	shalt  }

// kernel: kernel.6.cloned.1.call-start
scs
__scs_entry_jumppad:
0x0: {  	(pc) =	sbr.rel $0x88, $3  }
0x1: {  	(tag) =	ssettag $0x0;
	lr =	simm.s32 $0x1  }
0x2: {  	[smem:$0x3F95] =	sst lr;
	_ =	strace $0xD0000000  }
0x3: {  	_ = 	snop  }
0x4: {  	_ = 	snop  }
0x5: {  	_ = 	snop  }
0x6: {  	_ = 	snop  }
0x7: {  	_ = 	snop  }
__scs_overlays_trampoline_lowered:
0x8: {  	[smem:$0x3FA4] =	sst s0  }
0x9: {  	[smem:$0x3FA5] =	sst s1  }
0xa: {  	[smem:$0x3FA6] =	sst s2  }
0xb: {  	[smem:$0x3FA7] =	sst s3  }
0xc: {  	[smem:$0x3FA8] =	sst s4  }
0xd: {  	[smem:$0x3FA9] =	sst s5  }
0xe: {  	[smem:$0x3FAA] =	sst s6  }
0xf: {  	[smem:$0x3FAB] =	sst s7  }
0x10: {  	[smem:$0x3FAC] =	sst s8  }
0x11: {  	[smem:$0x3FAD] =	sst s9;
	s0 =	simm.s32 @!p0 $0x0  }
0x12: {  	s1 =	sld [smem:$0x3F93];
	s0 =	simm.s32 @p0 $0x1  }
0x13: {  	[smem:$0x3FAE] =	sst s0;
	s0 =	simm.s32 @!p1 $0x0  }
0x14: {  	s2 =	sld [smem:$0x3F92];
	s0 =	simm.s32 @p1 $0x1  }
0x15: {  	[smem:$0x3FAF] =	sst s0;
	s0 =	simm.s32 @!p2 $0x0  }
0x16: {  	s3 =	sld [smem:$0x3FDB];
	s0 =	simm.s32 @p2 $0x1  }
0x17: {  	s4 =	simm.s32 $0x1BF5;
	[smem:$0x3FB1] =	sst s0  }
0x18: {  	s0 =	sld [smem:$0x3F94];
	_ =	swait.ge [sflag:s4], $0x0  }
0x19: {  	s7 =	sld [smem:$0x3F95]  }
0x1a: {  	s8 =	sadd.s32 $0xFFFFE003, lr  }
0x1b: {  	s9 =	sadd.s32 $0xFFFFFEF7, lr;
	s5 =	simm.s32 $0xFFFFFFFF;
	p2 =	slt.u32 s8, $0xFFFFF086  }
0x1c: {  	p1 =	slt.u32 s9, $0xF7A;
	s5 =	simm.s32 @!p2 $0x0  }
0x1d: {  	s5 =	simm.s32 @p1 $0x1;
	p0 =	seq.s32 s7, s2  }
0x1e: {  	s7 =	smul.u32 @!p0 $0xF7A, s2;
	p2 =	seq.s32 @!p0 s5, $0x0  }
0x1f: {  	s9 =	smul.u32 $0xF7A, s1;
	s8 =	simm.s32 @!p0 $0x1BF5;
	p2 =	por !p2, p0  }
0x20: {  	[sflag:s8] =	ssyncset.s32 @!p0 $0xFFFFF086;
	s6 =	sadd.s32 @!p0 s3, s7;
	s7 =	simm.s32 @!p0 $0x108  }
0x21: {  	s3 =	sadd.s32 s3, s9;
	s6 =	sadd.s32 @!p0 $0x88, s6;
	s7 =	simm.s32 @p2 $0x1082  }
0x22: {  	[simem:s7], [sflag:s8] =	dma.local @!p0 [hbm:s6], $0xF7A  }
0x23: {  	s9 =	sor.u32 $0xD0000000, s2;
	s6 =	simm.s32 $0x108;
	_ =	swait.ge @!p0 [sflag:s8], $0x0  }
0x24: {  	s3 =	sadd.s32 $0x88, s3;
	s6 =	simm.s32 @!p1 $0x1082;
	[sflag:s4] =	ssyncset.s32 $0xFFFFF086  }
0x25: {  	[simem:s6], [sflag:s4] =	dma.local [hbm:s3], $0xF7A  }
0x26: {  	[smem:$0x3F95] =	sst s1;
	(tag) =	ssettag s2;
	_ =	strace s9  }
0x27: {  	s1 =	sld [smem:$0x3FA5]  }
0x28: {  	s2 =	sld [smem:$0x3FA6]  }
0x29: {  	s4 =	sld [smem:$0x3FA8]  }
0x2a: {  	p0 =	seq.s32 s5, $0x0;
	s5 =	sld [smem:$0x3FA9]  }
0x2b: {  	s6 =	sld [smem:$0x3FAA]  }
0x2c: {  	s7 =	sld [smem:$0x3FAB]  }
0x2d: {  	s3 =	simm.s32 $0x108;
	s8 =	sld [smem:$0x3FAC]  }
0x2e: {  	s3 =	simm.s32 @!p0 $0x1082;
	s9 =	sld [smem:$0x3FAD]  }
0x2f: {  	lr =	sadd.s32 s0, s3;
	s0 =	sld [smem:$0x3FA4]  }
0x30: {  	s3 =	sld [smem:$0x3FA7]  }
0x31: {  	[smem:$0x3FB0] =	sst s10  }
0x32: {  	s10 =	sld [smem:$0x3FAE];
	_ =	sdelay $0x3  }
0x33: {  	p0 =	seq.s32 s10, $0x1;
	s10 =	sld [smem:$0x3FB0];
	_ =	sdelay $0x3  }
0x34: {  	[smem:$0x3FB0] =	sst s10  }
0x35: {  	s10 =	sld [smem:$0x3FAF];
	_ =	sdelay $0x3  }
0x36: {  	p1 =	seq.s32 s10, $0x1;
	s10 =	sld [smem:$0x3FB0];
	_ =	sdelay $0x3  }
0x37: {  	[smem:$0x3FB0] =	sst s10  }
0x38: {  	s10 =	sld [smem:$0x3FB1]  }
0x39: {  	_ = 	snop;
	(pc) =	sbr.ind lr, $3  }
0x3a: {  	_ = 	snop  }
0x3b: {  	_ = 	snop  }
0x3c: {  	p2 =	seq.s32 s10, $0x1;
	s10 =	sld [smem:$0x3FB0]  }
0x3d: {  	_ =	shalt  }
0x3e: {  	_ =	shalt  }
0x3f: {  	_ =	shalt  }
0x40: {  	_ =	shalt  }
0x41: {  	_ =	shalt  }
0x42: {  	_ =	shalt  }
0x43: {  	_ =	shalt  }
0x44: {  	_ =	shalt  }
0x45: {  	_ =	shalt  }
0x46: {  	_ =	shalt  }
0x47: {  	_ =	shalt  }
0x48: {  	_ =	shalt  }
0x49: {  	_ =	shalt  }
0x4a: {  	_ =	shalt  }
0x4b: {  	_ =	shalt  }
0x4c: {  	_ =	shalt  }
0x4d: {  	_ =	shalt  }
0x4e: {  	_ =	shalt  }
0x4f: {  	_ =	shalt  }
0x50: {  	_ =	shalt  }
0x51: {  	_ =	shalt  }
0x52: {  	_ =	shalt  }
0x53: {  	_ =	shalt  }
0x54: {  	_ =	shalt  }
0x55: {  	_ =	shalt  }
0x56: {  	_ =	shalt  }
0x57: {  	_ =	shalt  }
0x58: {  	_ =	shalt  }
0x59: {  	_ =	shalt  }
0x5a: {  	_ =	shalt  }
0x5b: {  	_ =	shalt  }
0x5c: {  	_ =	shalt  }
0x5d: {  	_ =	shalt  }
0x5e: {  	_ =	shalt  }
0x5f: {  	_ =	shalt  }
0x60: {  	_ =	shalt  }
0x61: {  	_ =	shalt  }
0x62: {  	_ =	shalt  }
0x63: {  	_ =	shalt  }
0x64: {  	_ =	shalt  }
0x65: {  	_ =	shalt  }
0x66: {  	_ =	shalt  }
0x67: {  	_ =	shalt  }
0x68: {  	_ =	shalt  }
0x69: {  	_ =	shalt  }
0x6a: {  	_ =	shalt  }
0x6b: {  	_ =	shalt  }
0x6c: {  	_ =	shalt  }
0x6d: {  	_ =	shalt  }
0x6e: {  	_ =	shalt  }
0x6f: {  	_ =	shalt  }
0x70: {  	_ =	shalt  }
0x71: {  	_ =	shalt  }
0x72: {  	_ =	shalt  }
0x73: {  	_ =	shalt  }
0x74: {  	_ =	shalt  }
0x75: {  	_ =	shalt  }
0x76: {  	_ =	shalt  }
0x77: {  	_ =	shalt  }
0x78: {  	_ =	shalt  }
0x79: {  	_ =	shalt  }
0x7a: {  	_ =	shalt  }
0x7b: {  	_ =	shalt  }
0x7c: {  	_ =	shalt  }
0x7d: {  	_ =	shalt  }
0x7e: {  	_ =	shalt  }
0x7f: {  	_ =	shalt  }
0x80: {  	_ =	shalt  }
0x81: {  	_ =	shalt  }
0x82: {  	_ =	shalt  }
0x83: {  	_ =	shalt  }
0x84: {  	_ =	shalt  }
0x85: {  	_ =	shalt  }
0x86: {  	_ =	shalt  }
0x87: {  	_ =	shalt  }
.Lfunc_end0:
.L_simem_size_0:
called_computation.2_lowered:
.L_overlay_start_0:
0x88: {  	s2 =	sld [smem:$0x3FD9]  }
0x89: {  	s3 =	sld [smem:$0x3FFE];
	_ =	sdelay $0x1  }
0x8a: {  	s1 =	srdreg.scid  }
0x8b: {  	s0 =	sand.u32 $0x1, s1  }
0x8c: {  	s15 =	sshll.u32 s0, $0xA;
	s2 =	sadd.s32 s3, s2  }
0x8d: {  	s2 =	sadd.s32 s2, s15  }
0x8e: {  	[smem:$0x3FBC] =	sst s2  }
0x8f: {  	_ = 	snop  }
0x90: {  	s2 =	sld [smem:$0x3FD0];
	_ =	sdelay $0x2  }
0x91: {  	s6 =	simm.s32 $0xC;
	s16 =	simm.s32 $0x10  }
0x92: {  	[smem:s16], [sflag:s6] =	dma.local [hbm:s2], $0x1  }
0x93: {  	_ =	swait.eq [sflag:s6], $0x1  }
0x94: {  	s17 =	sld [smem:$0x10]  }
0x95: {  	s4 =	sld [smem:$0x11];
	[sflag:s6] =	ssyncset.done $0x0  }
0x96: {  	s5 =	sld [smem:$0x12];
	[sflag:s6] =	ssyncadd.s32 $0xFFFFFFFF  }
0x97: {  	s18 =	sld [smem:$0x13];
	(tm) =	ssettm $0x1  }
0x98: {  	s19 =	sld [smem:$0x3FFB];
	_ =	sdelay $0x3  }
0x99: {  	_ =	strace s19  }
0x9a: {  	s2 =	sld [smem:$0x3FFC];
	_ =	sdelay $0x3  }
0x9b: {  	_ =	strace s2  }
0x9c: {  	s2 =	sld [smem:$0x3FFD];
	_ =	sdelay $0x3  }
0x9d: {  	_ =	strace s2  }
0x9e: {  	_ =	strace $0x8FFFFFFF  }
0x9f: {  	s20 =	sld [smem:$0x3FDB];
	_ =	sdelay $0x1  }
0xa0: {  	s7 =	simm.s32 $_scs_section_size  }
0xa1: {  	s8 =	simm.s32 $_size__tile_overlayer_lowered;
	s9 =	simm.s32 $_tile_overlayer_lowered  }
0xa2: {  	s10 =	simm.s32 $0x1BFF;
	s21 =	sshll.u32 s9, $0x1;
	s7 =	sadd.s32 s7, s20  }
0xa3: {  	s22 =	simm.s32 $0x0;
	s8 =	sshll.u32 s8, $0x1;
	s9 =	sadd.s32 s21, s7  }
0xa4: {  	[timem:s22], [sflag:s10] =	dma.local [hbm:s9], s8  }
0xa5: {  	_ =	swait.ge [sflag:s10], s8  }
0xa6: {  	s8 =	ssub.s32 $0x0, s8;
	[sflag:s10] =	ssyncset.done $0x0  }
0xa7: {  	[sflag:s10] =	ssyncadd.s32 s8;
	_ =	sdelay $0x1  }
0xa8: {  	s23 =	simm.s32 $0x1B8B  }
0xa9: {  	_ =	swait.ge [sflag:s23], $0x1  }
0xaa: {  	[sflag:s23] =	ssyncset.done $0x0  }
0xab: {  	[sflag:s23] =	ssyncadd.s32 $0xFFFFFFFF  }
0xac: {  	s8 =	sld [smem:$0x0]  }
0xad: {  	s9 =	sand.u32 $0xFFFFFFFE, s1  }
0xae: {  	p0 =	sne.s32 s1, s9  }
0xaf: {  	s9 =	sshll.u32 @p0 s9, $0xE  }
0xb0: {  	s9 =	sadd.s32 @p0 $0x11B8D, s9;
	s10 =	sshll.u32 @p0 s8, $0x11  }
0xb1: {  	s9 =	sor.u32 @p0 s10, s9  }
0xb2: {  	[sflag:s9] =	ssyncadd.remote.s32 @p0 $0x1;
	_ =	sdelay $0x1  }
0xb3: {  	s9 =	simm.s32 @p0 $0x1B8D  }
0xb4: {  	_ =	swait.eq @p0 [sflag:s9], $0x1  }
0xb5: {  	[sflag:s9] =	ssyncadd.s32 @p0 $0xFFFFFFFF  }
0xb6: {  	s10 =	sshll.u32 @!p0 s1, $0xE  }
0xb7: {  	s10 =	sor.u32 @!p0 $0x4000, s10;
	s9 =	simm.s32 @!p0 $0x1B8D  }
0xb8: {  	s8 =	sshll.u32 @!p0 s8, $0x11;
	s10 =	sadd.s32 @!p0 $0x11B8D, s10;
	_ =	swait.eq @!p0 [sflag:s9], $0x1  }
0xb9: {  	s8 =	sor.u32 @!p0 s8, s10;
	[sflag:s9] =	ssyncadd.s32 @!p0 $0xFFFFFFFF  }
0xba: {  	s25 =	simm.s32 $0x1B8E;
	s24 =	sld [smem:$0x3FFE];
	[sflag:s8] =	ssyncadd.remote.s32 @!p0 $0x1  }
0xbb: {  	s26 =	simm.s32 $execute0_lowered;
	[smem:$0x3FD2] =	sst s25  }
0xbc: {  	s9 =	sshll.u32 s26, $0x1;
	_ =	strace $0x8000004C;
	[dreg:$0x1] =	wrdreg $0xFFFFFFFF  }
0xbd: {  	s28 =	simm.s32 $_size_execute0_lowered;
	s7 =	sadd.s32 s7, s9;
	[dreg:$0x0] =	wrdreg $0x0  }
0xbe: {  	s9 =	sshll.u32 s28, $0x1;
	[dreg:$0x2] =	wrdreg s7  }
0xbf: {  	[dreg:$0x3] =	wrdreg s9  }
0xc0: {  	[dreg:$0x4] =	wrdreg $0xC0  }
0xc1: {  	_ =	task [dreg:s22], $0x5FFFF  }
0xc2: {  	[dreg:$0x1] =	wrdreg $0xFFFFFFFF  }
0xc3: {  	[dreg:$0x0] =	wrdreg $0x60  }
0xc4: {  	[dreg:$0x2] =	wrdreg s18  }
0xc5: {  	[dreg:$0x3] =	wrdreg s5  }
0xc6: {  	[dreg:$0x4] =	wrdreg s4  }
0xc7: {  	[dreg:$0x5] =	wrdreg s17  }
0xc8: {  	[dreg:$0x6] =	wrdreg s24  }
0xc9: {  	[dreg:$0x7] =	wrdreg $0xB  }
0xca: {  	_ =	task.clear_ibuf [dreg:s22], $0x8FFFF;
	_ =	strace $0x9000004C  }
0xcb: {  	s29 =	simm.s32 $0xB;
	_ =	strace $0x8000004E  }
0xcc: {  	_ =	swait.ge [sflag:s29], $0x1  }
0xcd: {  	[sflag:s29] =	ssyncadd.s32 $0xFFFFFFFF  }
0xce: {  	_ =	strace $0x9000004E  }
0xcf: {  	_ =	sfence  }
0xd0: {  	s30 =	sld [smem:$0x0];
	_ =	sdelay $0x2  }
0xd1: {  	s31 =	sshll.u32 s1, $0xD;
	s1 =	sshrl.u32 s1, $0x2  }
0xd2: {  	s4 =	sand.u32 $0x4000, s31;
	s1 =	sadd.s32 s1, s30  }
0xd3: {  	s0 =	sor.u32 s4, s0;
	s1 =	sshll.u32 s1, $0x11  }
0xd4: {  	s0 =	sor.u32 s1, s0  }
0xd5: {  	s0 =	sadd.s32 $0x8F2B, s0  }
0xd6: {  	[sflag:s0] =	ssyncadd.remote.s32 $0x1  }
0xd7: {  	_ =	sfence.sel $0xFFFF  }
0xd8: {  	[dreg:$0x0] =	wrdreg $0xFFFFFFFF;
	(pc) =	sbr.abs _section_cstart, $3  }
0xd9: {  	[dreg:$0x1] =	wrdreg $0xFFFFFFFF  }
0xda: {  	_ =	task.clear_ibuf [dreg:s22], $0x2FFFF;
	_ =	strace $0x9FFFFFFF  }
0xdb: {  	(tm) =	ssettm $0x7FFFFFFF  }
tec
execute0_lowered:
.L_overlay_start_1:
0x0: {  	(tag) =	ssettag $0x1  }
0x1: {  	s1 =	rddreg [dreg:$0x0]  }
0x2: {  	s3 =	srdreg.scid;
	s0 =	stileid.u32  }
0x3: {  	s2 =	rddreg [dreg:$0x1];
	s15 =	sand.u32 $0x1, s3;
	s29 =	sshll.u32 s0, $0x1  }
0x4: {  	s10 =	rddreg [dreg:$0x2];
	s9 =	sor.u32 s15, s29  }
0x5: {  	s14 =	rddreg [dreg:$0x3];
	s11 =	smul.u32 $0xA00, s9  }
0x6: {  	s13 =	rddreg [dreg:$0x4];
	s4 =	simm.s32 $0x0  }
0x7: {  	s5 =	simm.s32 $0x2;
	[smem:$0x7FF] =	sst s4;
	s12 =	sshrl.u32 s11, $0x3  }
0x8: {  	s3 =	rddreg [dreg:$0x5];
	_ =	strace $0x8000004D;
	s6 =	sadd.s32 s10, s12  }
0x9: {  	[tilespmem:s4], [sflag:$0x2] =	stream.linear.gather [hbm4b:s6+s4], $0x500, $0x38;
	[tilespmem:$0x14500] =	vst v63  }
0xa: {  	_ =	swait.ge [sflag:s5], $0x500  }
0xb: {  	[sflag:s5] =	ssyncset.done $0x0  }
0xc: {  	s7 =	simm.s32 $0x500;
	s8 =	simm.s32 $0x1;
	[sflag:s5] =	ssyncadd.s32 $0xFFFFFB00  }
0xd: {  	[tilespmem:s7], [sflag:$0x1] =	stream.indirect.gather [hbm4b:s1+s7], $0x40, s4, s7, $0xb8;
	[tilespmem:$0x14500] =	vst v63  }
0xe: {  	s16 =	smul.u32 $0x5000, s9;
	_ =	swait.ge [sflag:s8], $0x14000  }
0xf: {  	s17 =	sadd.s32 $0xA3200, s13;
	[sflag:s8] =	ssyncset.done $0x0  }
0x10: {  	s9 =	sadd.s32 s17, s16;
	[sflag:s8] =	ssyncadd.s32 $0xFFFEC000  }
0x11: {  	[hbm4b:s9+s4] =	stream.linear.scatter [tilespmem:s7], [sflag:$0x2], $0x14000, $0x38;
	[tilespmem:$0x14500] =	vst v63  }
0x12: {  	s11 =	sadd.s32 $0x500, s11;
	_ =	swait.ge [sflag:s5], $0x14000  }
0x13: {  	s18 =	sshrl.u32 s11, $0x3;
	[sflag:s5] =	ssyncset.done $0x0  }
0x14: {  	s10 =	sadd.s32 s10, s18;
	[sflag:s5] =	ssyncadd.s32 $0xFFFEC000  }
0x15: {  	[tilespmem:s4], [sflag:$0x2] =	stream.linear.gather [hbm4b:s10+s4], $0x500, $0x38;
	[tilespmem:$0x14500] =	vst v63  }
0x16: {  	_ =	swait.ge [sflag:s5], $0x500  }
0x17: {  	[sflag:s5] =	ssyncset.done $0x0  }
0x18: {  	[sflag:s5] =	ssyncadd.s32 $0xFFFFFB00  }
0x19: {  	[tilespmem:s7], [sflag:$0x1] =	stream.indirect.gather [hbm4b:s1+s7], $0x40, s4, s7, $0xb8;
	[tilespmem:$0x14500] =	vst v63  }
0x1a: {  	_ =	swait.ge [sflag:s8], $0x14000  }
0x1b: {  	s19 =	sshll.u32 s11, $0x3;
	[sflag:s8] =	ssyncset.done $0x0  }
0x1c: {  	s11 =	sadd.s32 s17, s19;
	[sflag:s8] =	ssyncadd.s32 $0xFFFEC000  }
0x1d: {  	[hbm4b:s11+s4] =	stream.linear.scatter [tilespmem:s7], [sflag:$0x2], $0x14000, $0x38;
	[tilespmem:$0x14500] =	vst v63  }
0x1e: {  	_ =	swait.ge [sflag:s5], $0x14000  }
0x1f: {  	[sflag:s5] =	ssyncset.done $0x0  }
0x20: {  	s12 =	sadd.s32 s14, s12;
	[sflag:s5] =	ssyncadd.s32 $0xFFFEC000  }
0x21: {  	[tilespmem:s4], [sflag:$0x2] =	stream.linear.gather [hbm4b:s12+s4], $0x500, $0x38;
	[tilespmem:$0x14500] =	vst v63  }
0x22: {  	_ =	swait.ge [sflag:s5], $0x500  }
0x23: {  	[sflag:s5] =	ssyncset.done $0x0  }
0x24: {  	[sflag:s5] =	ssyncadd.s32 $0xFFFFFB00  }
0x25: {  	[tilespmem:s7], [sflag:$0x1] =	stream.indirect.gather [hbm4b:s2+s7], $0x40, s4, s7, $0xb8;
	[tilespmem:$0x14500] =	vst v63  }
0x26: {  	_ =	swait.ge [sflag:s8], $0x14000  }
0x27: {  	s30 =	sadd.s32 $0x3200, s13;
	[sflag:s8] =	ssyncset.done $0x0  }
0x28: {  	s13 =	sadd.s32 s30, s16;
	[sflag:s8] =	ssyncadd.s32 $0xFFFEC000  }
0x29: {  	[hbm4b:s13+s4] =	stream.linear.scatter [tilespmem:s7], [sflag:$0x2], $0x14000, $0x38;
	[tilespmem:$0x14500] =	vst v63  }
0x2a: {  	_ =	swait.ge [sflag:s5], $0x14000  }
0x2b: {  	[sflag:s5] =	ssyncset.done $0x0  }
0x2c: {  	s15 =	ssub.s32 $0x2, s15;
	s14 =	sadd.s32 s14, s18;
	[sflag:s5] =	ssyncadd.s32 $0xFFFEC000  }
0x2d: {  	[tilespmem:s4], [sflag:$0x2] =	stream.linear.gather [hbm4b:s14+s4], $0x500, $0x38;
	[tilespmem:$0x14500] =	vst v63  }
0x2e: {  	s31 =	sshrl.u32 s15, $0x1;
	_ =	swait.ge [sflag:s5], $0x500  }
0x2f: {  	s16 =	ssub.s32 s15, s31;
	[sflag:s5] =	ssyncset.done $0x0  }
0x30: {  	s16 =	smax.u32 s16, $0x1;
	[sflag:s5] =	ssyncadd.s32 $0xFFFFFB00  }
0x31: {  	[tilespmem:s7], [sflag:$0x1] =	stream.indirect.gather [hbm4b:s2+s7], $0x40, s4, s7, $0xb8;
	[tilespmem:$0x14500] =	vst v63  }
0x32: {  	p0 =	sne.s32 s16, $0x1;
	_ =	swait.ge [sflag:s8], $0x14000  }
.Ltmp0:
0x33: {  	[sflag:s8] =	ssyncset.done $0x0;
	(pc) =	sbr.rel @!p0 .LBB2_2-.Ltmp0, $4  }
0x34: {  	s15 =	sadd.s32 s30, s19;
	[sflag:s8] =	ssyncadd.s32 $0xFFFEC000  }
0x35: {  	[hbm4b:s15+s4] =	stream.linear.scatter [tilespmem:s7], [sflag:$0x2], $0x14000, $0x38;
	[tilespmem:$0x14500] =	vst v63  }
0x36: {  	_ =	swait.ge [sflag:s5], $0x14000  }
0x37: {  	s16 =	sadd.s32 $0xFFFFFFFF, s16;
	[sflag:s5] =	ssyncset.done $0x0  }
.LBB2_1:
0x38: {  	p0 =	sne.s32 s16, $0x1;
	s16 =	sadd.s32 $0xFFFFFFFF, s16;
	[sflag:s5] =	ssyncadd.s32 $0xFFFEC000  }
0x39: {  	[tilespmem:s4], [sflag:$0x2] =	stream.linear.gather [hbm4b:s6+s4], $0x500, $0x38;
	[tilespmem:$0x14500] =	vst v63  }
0x3a: {  	_ =	swait.ge [sflag:s5], $0x500  }
0x3b: {  	[sflag:s5] =	ssyncset.done $0x0  }
0x3c: {  	[sflag:s5] =	ssyncadd.s32 $0xFFFFFB00  }
0x3d: {  	[tilespmem:s7], [sflag:$0x1] =	stream.indirect.gather [hbm4b:s1+s7], $0x40, s4, s7, $0xb8;
	[tilespmem:$0x14500] =	vst v63  }
0x3e: {  	_ =	swait.ge [sflag:s8], $0x14000  }
0x3f: {  	[sflag:s8] =	ssyncset.done $0x0  }
0x40: {  	[sflag:s8] =	ssyncadd.s32 $0xFFFEC000  }
0x41: {  	[hbm4b:s9+s4] =	stream.linear.scatter [tilespmem:s7], [sflag:$0x2], $0x14000, $0x38;
	[tilespmem:$0x14500] =	vst v63  }
0x42: {  	_ =	swait.ge [sflag:s5], $0x14000  }
0x43: {  	[sflag:s5] =	ssyncset.done $0x0  }
0x44: {  	[sflag:s5] =	ssyncadd.s32 $0xFFFEC000  }
0x45: {  	[tilespmem:s4], [sflag:$0x2] =	stream.linear.gather [hbm4b:s10+s4], $0x500, $0x38;
	[tilespmem:$0x14500] =	vst v63  }
0x46: {  	_ =	swait.ge [sflag:s5], $0x500  }
0x47: {  	[sflag:s5] =	ssyncset.done $0x0  }
0x48: {  	[sflag:s5] =	ssyncadd.s32 $0xFFFFFB00  }
0x49: {  	[tilespmem:s7], [sflag:$0x1] =	stream.indirect.gather [hbm4b:s1+s7], $0x40, s4, s7, $0xb8;
	[tilespmem:$0x14500] =	vst v63  }
0x4a: {  	_ =	swait.ge [sflag:s8], $0x14000  }
0x4b: {  	[sflag:s8] =	ssyncset.done $0x0  }
0x4c: {  	[sflag:s8] =	ssyncadd.s32 $0xFFFEC000  }
0x4d: {  	[hbm4b:s11+s4] =	stream.linear.scatter [tilespmem:s7], [sflag:$0x2], $0x14000, $0x38;
	[tilespmem:$0x14500] =	vst v63  }
0x4e: {  	_ =	swait.ge [sflag:s5], $0x14000  }
0x4f: {  	[sflag:s5] =	ssyncset.done $0x0  }
0x50: {  	[sflag:s5] =	ssyncadd.s32 $0xFFFEC000  }
0x51: {  	[tilespmem:s4], [sflag:$0x2] =	stream.linear.gather [hbm4b:s12+s4], $0x500, $0x38;
	[tilespmem:$0x14500] =	vst v63  }
0x52: {  	_ =	swait.ge [sflag:s5], $0x500  }
0x53: {  	[sflag:s5] =	ssyncset.done $0x0  }
0x54: {  	[sflag:s5] =	ssyncadd.s32 $0xFFFFFB00  }
0x55: {  	[tilespmem:s7], [sflag:$0x1] =	stream.indirect.gather [hbm4b:s2+s7], $0x40, s4, s7, $0xb8;
	[tilespmem:$0x14500] =	vst v63  }
0x56: {  	_ =	swait.ge [sflag:s8], $0x14000  }
0x57: {  	[sflag:s8] =	ssyncset.done $0x0  }
0x58: {  	[sflag:s8] =	ssyncadd.s32 $0xFFFEC000  }
0x59: {  	[hbm4b:s13+s4] =	stream.linear.scatter [tilespmem:s7], [sflag:$0x2], $0x14000, $0x38;
	[tilespmem:$0x14500] =	vst v63  }
0x5a: {  	_ =	swait.ge [sflag:s5], $0x14000  }
0x5b: {  	[sflag:s5] =	ssyncset.done $0x0  }
0x5c: {  	[sflag:s5] =	ssyncadd.s32 $0xFFFEC000  }
0x5d: {  	[tilespmem:s4], [sflag:$0x2] =	stream.linear.gather [hbm4b:s14+s4], $0x500, $0x38;
	[tilespmem:$0x14500] =	vst v63  }
0x5e: {  	_ =	swait.ge [sflag:s5], $0x500  }
0x5f: {  	[sflag:s5] =	ssyncset.done $0x0  }
0x60: {  	[sflag:s5] =	ssyncadd.s32 $0xFFFFFB00  }
0x61: {  	[tilespmem:s7], [sflag:$0x1] =	stream.indirect.gather [hbm4b:s2+s7], $0x40, s4, s7, $0xb8;
	[tilespmem:$0x14500] =	vst v63  }
0x62: {  	_ =	swait.ge [sflag:s8], $0x14000  }
.Ltmp1:
0x63: {  	[sflag:s8] =	ssyncset.done $0x0;
	(pc) =	sbr.rel @p0 .LBB2_1-.Ltmp1, $4  }
0x64: {  	[sflag:s8] =	ssyncadd.s32 $0xFFFEC000  }
0x65: {  	[hbm4b:s15+s4] =	stream.linear.scatter [tilespmem:s7], [sflag:$0x2], $0x14000, $0x38;
	[tilespmem:$0x14500] =	vst v63  }
0x66: {  	_ =	swait.ge [sflag:s5], $0x14000  }
0x67: {  	[sflag:s5] =	ssyncset.done $0x0  }
.LBB2_2:
0x68: {  	[sflag:s5] =	ssyncadd.s32 $0xFFFEC000  }
0x69: {  	_ =	sfence.sel $0x180000  }
0x6a: {  	[bflag:$0x0] =	sbarrier.arrive $0xFFFF  }
0x6b: {  	p0 =	sne.s32 s0, $0x0;
	_ =	strace $0x9000004D  }
0x6c: {  	s0 =	sadd.s32 @!p0 $0x100000, s3;
	[bflag:$0x2] =	sbarrier.arrive $0xFFFF  }
0x6d: {  	[sflag:s0] =	ssyncadd.tile.s32 @!p0 $0x1;
	_ =	shalt  }
.Lfunc_end2:
_tile_overlayer_lowered:
.L_overlay_start_2:
0x6e: {  	(tag) =	ssettag $0x2  }
0x6f: {  	s0 =	rddreg [dreg:$0x0];
	s2 =	stileid.u32  }
0x70: {  	s1 =	rddreg [dreg:$0x1];
	p0 =	sne.s32 s2, $0x0  }
0x71: {  	s3 =	rddreg [dreg:$0x2];
	[bflag:$0x3] =	sbarrier.arrive $0xFFFF;
	s2 =	simm.s32 @!p0 $0x1C02  }
0x72: {  	[timem:s3], [sflag:s2] =	dma.local @!p0 [hbm:s0], s1  }
0x73: {  	s0 =	simm.s32 @!p0 $0x2  }
0x74: {  	_ =	swait.ge @!p0 [sflag:s0], s1  }
0x75: {  	s1 =	ssub.s32 @!p0 $0x0, s1;
	[sflag:s0] =	ssyncset.done @!p0 $0x0  }
0x76: {  	[sflag:s0] =	ssyncadd.s32 @!p0 s1  }
0x77: {  	[bflag:$0x3] =	sbarrier.arrive $0xFFFF  }
0x78: {  	_ =	shalt  }

</sc_bundles>
